<compile_context>
chip_gen: v7x
topology: tpu7x:2x2x1
jax: 0.10.2.dev20260603
libtpu: 0.0.44.dev20260713+nightly
codegen_flags: <defaults>
</compile_context>

<pallas_src>
import functools
import math

import jax
import jax.numpy as jnp
from jax import lax
from jax.experimental import pallas as pl
from jax.experimental.pallas import tpu as pltpu
from jax.experimental.pallas import tpu_sc as plsc

B, L, DIN, D, K, TOPK = 8, 1024, 768, 64, 8192, 5
N = B * L
TB = 512
TB3 = 512
KC = 2048
NBLK = N // TB
NBLK3 = N // TB3


def _xq_argmin_body(img_ref, w1t_ref, b1_ref, g1_ref, be1_ref, embt_ref,
                    esq_ref, xq_ref, idx_ref):
    x = img_ref[...]
    h = jnp.dot(x, w1t_ref[...], preferred_element_type=jnp.float32)
    h = h + b1_ref[...]
    m = jnp.mean(h, axis=1, keepdims=True)
    c = h - m
    v = jnp.mean(c * c, axis=1, keepdims=True)
    xq = c / jnp.sqrt(v + 1e-5) * g1_ref[...] + be1_ref[...]
    xq = jnp.maximum(xq, 0.0)

    fsq = jnp.sum(xq * xq, axis=1, keepdims=True)
    rmin = None
    ridx = None
    for ci in range(K // KC):
        et = embt_ref[:, ci * KC:(ci + 1) * KC]
        esq = esq_ref[:, ci * KC:(ci + 1) * KC]
        mm2 = jnp.dot(xq, et, preferred_element_type=jnp.float32)
        d2 = (fsq + esq) - mm2
        cmin = jnp.min(d2, axis=1, keepdims=True)
        io = lax.broadcasted_iota(jnp.int32, (TB, KC), 1)
        cidx = jnp.min(jnp.where(d2 <= cmin, io, jnp.int32(1 << 30)),
                       axis=1, keepdims=True) + ci * KC
        if ci == 0:
            rmin, ridx = cmin, cidx
        else:
            upd = cmin < rmin
            rmin = jnp.where(upd, cmin, rmin)
            ridx = jnp.where(upd, cidx, ridx)
    xq_ref[...] = xq
    ridx_f = ridx.astype(jnp.float32)
    idx_ref[...] = jnp.transpose(ridx_f, (1, 0)).reshape(1, 1, TB).astype(jnp.int32)


def _call_k1(img2d, w1t, b1r, g1r, be1r, embt, esqr):
    return pl.pallas_call(
        _xq_argmin_body,
        grid=(NBLK,),
        in_specs=[
            pl.BlockSpec((TB, DIN), lambda i: (i, 0)),
            pl.BlockSpec((DIN, D), lambda i: (0, 0)),
            pl.BlockSpec((1, D), lambda i: (0, 0)),
            pl.BlockSpec((1, D), lambda i: (0, 0)),
            pl.BlockSpec((1, D), lambda i: (0, 0)),
            pl.BlockSpec((D, K), lambda i: (0, 0)),
            pl.BlockSpec((1, K), lambda i: (0, 0)),
        ],
        out_specs=[
            pl.BlockSpec((TB, D), lambda i: (i, 0)),
            pl.BlockSpec((1, 1, TB), lambda i: (i, 0, 0)),
        ],
        out_shape=[
            jax.ShapeDtypeStruct((N, D), jnp.float32),
            jax.ShapeDtypeStruct((NBLK, 1, TB), jnp.int32),
        ],
    )(img2d, w1t, b1r, g1r, be1r, embt, esqr)


def _sampling_body(mp_ref, xq_ref, embt_ref, esq_ref, idx2_ref,
                   g_ref, neg_ref):
    rows = []
    grows = []
    mposv = []
    for b in range(B):
        mpos = mp_ref[b, 0]
        t = b * L + mpos
        rows.append(xq_ref[pl.ds(t, 1), :])
        grows.append(g_ref[pl.ds(t, 1), :])
        mposv.append(mpos)
    rows = jnp.concatenate(rows, axis=0)
    grows = jnp.concatenate(grows, axis=0)

    ind2d = idx2_ref[...]
    iol = lax.broadcasted_iota(jnp.int32, (B, L), 1)
    mcol = jnp.concatenate([jnp.full((1, L), m, jnp.int32) for m in mposv], 0)
    oh = (iol == mcol).astype(jnp.float32)
    cb = jnp.sum(oh * ind2d.astype(jnp.float32), axis=1,
                 keepdims=True).astype(jnp.int32)

    et = embt_ref[...]
    esq = esq_ref[...]
    fsq = jnp.sum(rows * rows, axis=1, keepdims=True)
    mm2 = jnp.dot(rows, et, preferred_element_type=jnp.float32)
    d2 = (fsq + esq) - mm2
    nl = -d2
    mx = jnp.max(nl, axis=1, keepdims=True)
    p = jnp.exp(nl - mx)
    probs = p / jnp.sum(p, axis=1, keepdims=True)

    io = lax.broadcasted_iota(jnp.int32, (B, K), 1)
    pw = probs
    vals = []
    idxs = []
    for _ in range(TOPK):
        vmax = jnp.max(pw, axis=1, keepdims=True)
        ik = jnp.min(jnp.where(pw >= vmax, io, jnp.int32(1 << 30)),
                     axis=1, keepdims=True)
        vals.append(vmax)
        idxs.append(ik)
        pw = jnp.where(io == ik, -1.0, pw)

    best_l = jnp.log(vals[0] + 1e-12) + grows[:, 0:1]
    best_k = jnp.zeros((B, 1), jnp.int32)
    for k in range(1, TOPK):
        lk = jnp.log(vals[k] + 1e-12) + grows[:, k:k + 1]
        upd = lk > best_l
        best_l = jnp.where(upd, lk, best_l)
        best_k = jnp.where(upd, jnp.int32(k), best_k)
    ng = jnp.zeros((B, 1), jnp.int32)
    for k in range(TOPK):
        ng = jnp.where(best_k == k, idxs[k], ng)

    neg_ref[...] = jnp.where(ind2d == cb, ng, ind2d)


def _call_k2(mask_pos, xq, embt, esqr, idx2d, gpad):
    return pl.pallas_call(
        _sampling_body,
        in_specs=[
            pl.BlockSpec(memory_space=pltpu.SMEM),
            pl.BlockSpec((N, D), lambda: (0, 0)),
            pl.BlockSpec((D, K), lambda: (0, 0)),
            pl.BlockSpec((1, K), lambda: (0, 0)),
            pl.BlockSpec((B, L), lambda: (0, 0)),
            pl.BlockSpec((N, 8), lambda: (0, 0)),
        ],
        out_specs=pl.BlockSpec((B, L), lambda: (0, 0)),
        out_shape=jax.ShapeDtypeStruct((B, L), jnp.int32),
    )(mask_pos, xq, embt, esqr, idx2d, gpad)


def _table_body(emb_ref, wpt_ref, out_ref):
    e = emb_ref[...]
    out_ref[:, :D] = e.astype(jnp.bfloat16).astype(jnp.float32)
    out_ref[:, D:] = jnp.dot(e, wpt_ref[...],
                             preferred_element_type=jnp.float32)


def _call_k0(embed, wpt):
    return pl.pallas_call(
        _table_body,
        in_specs=[
            pl.BlockSpec((K, D), lambda: (0, 0)),
            pl.BlockSpec((D, D), lambda: (0, 0)),
        ],
        out_specs=pl.BlockSpec((K, 2 * D), lambda: (0, 0)),
        out_shape=jax.ShapeDtypeStruct((K, 2 * D), jnp.float32),
    )(embed, wpt)


_SC_ROWS = 256
_SC_CHUNK = 256


def _sc_gather_two(table, idx_a, idx_b):
    info = plsc.get_sparse_core_info()
    nw = info.num_cores * info.num_subcores
    mesh = plsc.VectorSubcoreMesh(core_axis_name="c", subcore_axis_name="s")

    nj = _SC_ROWS // _SC_CHUNK

    @functools.partial(
        pl.kernel,
        mesh=mesh,
        out_type=[
            jax.ShapeDtypeStruct((N, 2 * D), jnp.float32),
            jax.ShapeDtypeStruct((N, 2 * D), jnp.float32),
        ],
        scratch_types=(
            [pltpu.VMEM((_SC_CHUNK,), jnp.int32) for _ in range(2 * nj)]
            + [pltpu.VMEM((_SC_CHUNK, 2 * D), jnp.float32) for _ in range(2 * nj)]
            + [pltpu.SemaphoreType.DMA] * 3 * 2 * (_SC_ROWS // _SC_CHUNK)
        ),
    )
    def gather_k(table_hbm, ia_hbm, ib_hbm, out_a, out_b, *scratch):
        idx_vs = scratch[:2 * nj]
        row_vs = scratch[2 * nj:4 * nj]
        sems = scratch[4 * nj:]
        sem_i = sems[0:2 * nj]
        sem_g = sems[2 * nj:4 * nj]
        sem_s = sems[4 * nj:6 * nj]
        wid = lax.axis_index("s") * info.num_cores + lax.axis_index("c")
        plan = []
        k = 0
        for src, dst in ((ia_hbm, out_a), (ib_hbm, out_b)):
            for j in range(nj):
                base = wid * _SC_ROWS + j * _SC_CHUNK
                plan.append((src, dst, base, idx_vs[k], row_vs[k]))
                k += 1
        d = [pltpu.async_copy(src.at[pl.ds(base, _SC_CHUNK)], iv, sem_i[t])
             for t, (src, _, base, iv, _) in enumerate(plan)]
        g = []
        for t, (_, _, _, iv, rv) in enumerate(plan):
            d[t].wait()
            g.append(pltpu.async_copy(table_hbm.at[iv], rv, sem_g[t]))
        st = []
        for t, (_, dst, base, _, rv) in enumerate(plan):
            g[t].wait()
            st.append(pltpu.async_copy(rv, dst.at[pl.ds(base, _SC_CHUNK)],
                                       sem_s[t]))
        for x in st:
            x.wait()

    assert N % (8 * nw) == 0
    return gather_k(table, idx_a, idx_b)


def _assemble_body(q_ref, n_ref, xq_ref, pos_ref, wgt_ref, bp_ref, bg_ref,
                   lgg_ref, lgb_ref, lng_ref, lnb_ref, o1_ref, o2_ref):
    x = xq_ref[...]
    e = q_ref[:, D:] + bp_ref[...]
    nq = n_ref[:, :D]
    pos = pos_ref[...]

    tmp = jnp.concatenate([e, x], axis=1)
    sg = jnp.dot(tmp, wgt_ref[...],
                 preferred_element_type=jnp.float32) + bg_ref[...]
    s0 = sg[:, 0:1]
    s1 = sg[:, 1:2]
    mu = (s0 + s1) * 0.5
    d0 = s0 - mu
    d1 = s1 - mu
    var = (d0 * d0 + d1 * d1) * 0.5
    rs = jnp.sqrt(var + 1e-5)
    r0 = jnp.maximum(d0 / rs * lgg_ref[:, 0:1] + lgb_ref[:, 0:1], 0.0)
    r1 = jnp.maximum(d1 / rs * lgg_ref[:, 1:2] + lgb_ref[:, 1:2], 0.0)
    smx = jnp.maximum(r0, r1)
    e0 = jnp.exp(r0 - smx)
    e1 = jnp.exp(r1 - smx)
    den = e0 + e1
    es = e0 / den
    iss = e1 / den

    def final_ln(o):
        m = jnp.mean(o, axis=1, keepdims=True)
        c = o - m
        v = jnp.mean(c * c, axis=1, keepdims=True)
        return c / jnp.sqrt(v + 1e-5) * lng_ref[...] + lnb_ref[...]

    o1_ref[...] = final_ln(e * es + x * iss + pos)
    o2_ref[...] = final_ln(nq * es + x * iss + pos)


def _call_k3(qrows, nrows, xq, pos2d, wgt, bpr, bgr, lggr, lgbr, lngr, lnbr):
    tok = lambda i: (i, 0)
    cst = lambda i: (0, 0)
    return pl.pallas_call(
        _assemble_body,
        grid=(NBLK3,),
        in_specs=[
            pl.BlockSpec((TB3, 2 * D), tok),
            pl.BlockSpec((TB3, 2 * D), tok),
            pl.BlockSpec((TB3, D), tok),
            pl.BlockSpec((TB3, D), tok),
            pl.BlockSpec((2 * D, 2), cst),
            pl.BlockSpec((1, D), cst),
            pl.BlockSpec((1, 2), cst),
            pl.BlockSpec((1, 2), cst),
            pl.BlockSpec((1, 2), cst),
            pl.BlockSpec((1, D), cst),
            pl.BlockSpec((1, D), cst),
        ],
        out_specs=[
            pl.BlockSpec((TB3, D), tok),
            pl.BlockSpec((TB3, D), tok),
        ],
        out_shape=[
            jax.ShapeDtypeStruct((N, D), jnp.float32),
            jax.ShapeDtypeStruct((N, D), jnp.float32),
        ],
    )(qrows, nrows, xq, pos2d, wgt, bpr, bgr, lggr, lgbr, lngr, lnbr)


def _np_threefry2x32(k0, k1, x0, x1):
    import numpy as np
    rot1 = (13, 15, 26, 6)
    rot2 = (17, 29, 16, 24)
    ks0, ks1 = np.uint32(k0), np.uint32(k1)
    ks2 = np.uint32(0x1BD11BDA) ^ ks0 ^ ks1
    x0 = (x0 + ks0).astype(np.uint32)
    x1 = (x1 + ks1).astype(np.uint32)
    add_idx = ((ks1, ks2), (ks2, ks0), (ks0, ks1), (ks1, ks2), (ks2, ks0))
    for r in range(5):
        for rot in (rot1 if r % 2 == 0 else rot2):
            x0 = (x0 + x1).astype(np.uint32)
            x1 = ((x1 << np.uint32(rot)) | (x1 >> np.uint32(32 - rot))).astype(np.uint32)
            x1 = x1 ^ x0
        ka, kb = add_idx[r]
        x0 = (x0 + ka).astype(np.uint32)
        x1 = (x1 + kb + np.uint32(r + 1)).astype(np.uint32)
    return x0, x1


def _np_gumbel(seed_pair, shape):
    import numpy as np
    n = int(np.prod(shape))
    o0, o1 = _np_threefry2x32(seed_pair[0], seed_pair[1],
                              np.zeros(n, np.uint32), np.arange(n, dtype=np.uint32))
    bits = o0 ^ o1
    f = ((bits >> np.uint32(9)) | np.uint32(0x3F800000)).view(np.float32)
    u = f - np.float32(1.0)
    tiny = np.float32(np.finfo(np.float32).tiny)
    u = np.maximum(tiny, (u * (np.float32(1.0) - tiny) + tiny).astype(np.float32))
    return (-np.log(-np.log(u))).astype(np.float32).reshape(shape)


def _np_pos_encoding(b, l, d):
    import numpy as np
    h = w = int(math.sqrt(l))
    f32 = np.float32
    y = np.cumsum(np.ones((b, h, w), f32), axis=1, dtype=f32)
    x = np.cumsum(np.ones((b, h, w), f32), axis=2, dtype=f32)
    eps = f32(1e-6)
    two_pi = f32(2 * math.pi)
    y = (y / (y[:, -1:, :] + eps) * two_pi).astype(f32)
    x = (x / (x[:, :, -1:] + eps) * two_pi).astype(f32)
    pfd = d // 2
    dim_t = np.arange(pfd, dtype=f32)
    dim_t = np.power(f32(10000.0), (f32(2.0) * np.floor(dim_t / f32(2.0)) / f32(pfd))).astype(f32)
    pos_x = (x[:, :, :, None] / dim_t).astype(f32)
    pos_y = (y[:, :, :, None] / dim_t).astype(f32)
    pos_x = np.stack((np.sin(pos_x[:, :, :, 0::2]), np.cos(pos_x[:, :, :, 1::2])),
                     axis=4).astype(f32).reshape(b, h, w, pfd)
    pos_y = np.stack((np.sin(pos_y[:, :, :, 0::2]), np.cos(pos_y[:, :, :, 1::2])),
                     axis=4).astype(f32).reshape(b, h, w, pfd)
    return np.concatenate((pos_y, pos_x), axis=3).reshape(b, h * w, 2 * pfd)


def _host_constants():
    import numpy as np
    g = _np_gumbel((0, 42), (N, TOPK))
    gpad = np.concatenate([g, np.zeros((N, 8 - TOPK), np.float32)], axis=1)
    pos = _np_pos_encoding(B, L, D).reshape(N, D)
    return gpad, pos


_GPAD_CONST, _POS_CONST = _host_constants()


def kernel(img, mask_indices, W1, b1, ln1_g, ln1_b, embed, Wp, bp, Wg, bg,
           lng_g, lng_b, ln_g, ln_b):
    img2d = img.reshape(N, DIN)
    w1t = W1.T
    embt = embed.T * 2.0
    b1r = b1.reshape(1, D)
    g1r = ln1_g.reshape(1, D)
    be1r = ln1_b.reshape(1, D)

    esqr = jnp.sum(embed ** 2, axis=1).reshape(1, K)
    xq, idxblk = _call_k1(img2d, w1t, b1r, g1r, be1r, embt, esqr)
    indices = idxblk.reshape(N)
    idx2d = indices.reshape(B, L)

    gpad = jnp.asarray(_GPAD_CONST)
    mask_pos = mask_indices.astype(jnp.int32).reshape(B, 1)

    neg2d = _call_k2(mask_pos, xq, embt, esqr, idx2d, gpad)

    table = _call_k0(embed, Wp.T)
    qrows, nrows = _sc_gather_two(table, indices, neg2d.reshape(N))

    pos2d = jnp.asarray(_POS_CONST)
    out1, out2 = _call_k3(
        qrows, nrows, xq, pos2d,
        Wg.T, bp.reshape(1, D), bg.reshape(1, 2),
        lng_g.reshape(1, 2), lng_b.reshape(1, 2),
        ln_g.reshape(1, D), ln_b.reshape(1, D),
    )
    return out1.reshape(B, L, D), out2.reshape(B, L, D)

# --- scband reference (transcript-rebuilt; emitter-appended) ---
"""Pipeline reference for scband-simple-vdfor-pre-gate-48524540510487 (READ-ONLY COPY).

The authoritative reference and input builder live on the scoring server;
editing this copy changes nothing except your own understanding.
"""

import jax, jax.numpy as jnp
import numpy as np
import math

B, L, DIN, D, K, TOPK = 8, 1024, 768, 64, 8192, 5

def _layernorm(x, g, b, eps=1e-5):
    m = jnp.mean(x, axis=-1, keepdims=True)
    v = jnp.var(x, axis=-1, keepdims=True)
    return (x - m) / jnp.sqrt(v + eps) * g + b

def _pos_encoding_sine(b, l, d):
    h = w = int(math.sqrt(l))
    mask = jnp.ones((b, h, w), dtype=jnp.float32)
    y_embed = jnp.cumsum(mask, axis=1)
    x_embed = jnp.cumsum(mask, axis=2)
    eps = 1e-6
    y_embed = y_embed / (y_embed[:, -1:, :] + eps) * 2 * math.pi
    x_embed = x_embed / (x_embed[:, :, -1:] + eps) * 2 * math.pi
    pfd = d // 2
    dim_t = jnp.arange(pfd, dtype=jnp.float32)
    dim_t = 10000.0 ** (2.0 * jnp.floor(dim_t / 2.0) / pfd)
    pos_x = x_embed[:, :, :, None] / dim_t
    pos_y = y_embed[:, :, :, None] / dim_t
    pos_x = jnp.stack((jnp.sin(pos_x[:, :, :, 0::2]), jnp.cos(pos_x[:, :, :, 1::2])), axis=4).reshape(b, h, w, pfd)
    pos_y = jnp.stack((jnp.sin(pos_y[:, :, :, 0::2]), jnp.cos(pos_y[:, :, :, 1::2])), axis=4).reshape(b, h, w, pfd)
    pos = jnp.concatenate((pos_y, pos_x), axis=3)
    return pos.reshape(b, h * w, 2 * pfd)

def setup_inputs(seed: int = 0):
    key = jax.random.key(seed)
    ks = jax.random.split(key, 8)
    def xav(k, shape):
        std = math.sqrt(2.0 / (shape[0] + shape[1]))
        return jax.random.normal(k, shape, dtype=jnp.float32) * std
    img = jax.random.normal(ks[0], (B, L, DIN), dtype=jnp.float32)
    mask_indices = jax.random.randint(ks[1], (B, 1), 0, L)
    W1 = xav(ks[2], (D, DIN)); b1 = jnp.zeros((D,), jnp.float32)
    ln1_g = jnp.ones((D,), jnp.float32); ln1_b = jnp.zeros((D,), jnp.float32)
    embed = jax.random.normal(ks[3], (K, D), dtype=jnp.float32)
    Wp = xav(ks[4], (D, D)); bp = jnp.zeros((D,), jnp.float32)
    Wg = xav(ks[5], (2, 2 * D)); bg = jnp.zeros((2,), jnp.float32)
    lng_g = jnp.ones((2,), jnp.float32); lng_b = jnp.zeros((2,), jnp.float32)
    ln_g = jnp.ones((D,), jnp.float32); ln_b = jnp.zeros((D,), jnp.float32)
    return {"img": img, "mask_indices": mask_indices, "W1": W1, "b1": b1, "ln1_g": ln1_g, "ln1_b": ln1_b, "embed": embed, "Wp": Wp, "bp": bp, "Wg": Wg, "bg": bg, "lng_g": lng_g, "lng_b": lng_b, "ln_g": ln_g, "ln_b": ln_b}

def reference(img, mask_indices, W1, b1, ln1_g, ln1_b, embed, Wp, bp, Wg, bg, lng_g, lng_b, ln_g, ln_b):
    b, l, _ = img.shape
    xq = jax.nn.relu(_layernorm(img @ W1.T + b1, ln1_g, ln1_b))
    xq_img = xq
    xq_img2 = jax.lax.stop_gradient(xq)
    flat = xq.reshape(b * l, -1)
    d2 = jnp.sum(flat ** 2, axis=1, keepdims=True) + jnp.sum(embed ** 2, axis=1) - 2.0 * (flat @ embed.T)
    indices = jnp.argmin(d2, axis=1)
    quantize = jnp.take(embed, indices, axis=0)
    quantized_pt = flat + jax.lax.stop_gradient(quantize - flat)
    probs = jax.nn.softmax(-d2, axis=1)
    topk_values, topk_indices = jax.lax.top_k(probs, TOPK)
    quantized_pt = quantized_pt @ Wp.T + bp
    embedded_pt = quantized_pt.reshape(b, l, -1)
    tmp = jnp.concatenate([embedded_pt, xq_img], axis=2)
    tmp_s = jax.nn.relu(_layernorm(tmp @ Wg.T + bg, lng_g, lng_b))
    tmp_score = jax.nn.softmax(tmp_s, axis=2)
    emb_score = tmp_score[:, :, 0:1]
    img_score = tmp_score[:, :, 1:2]
    embedded_pt = embedded_pt * emb_score + xq_img * img_score
    pos = _pos_encoding_sine(b, l, embedded_pt.shape[-1])
    ind = indices.reshape(b, l, 1).astype(jnp.float32)
    ind2d = ind[:, :, 0]
    masked_labels = jnp.take_along_axis(ind2d, mask_indices, axis=1)
    masked_neg = (ind2d == masked_labels).astype(jnp.float32)[:, :, None]
    samp = jax.random.categorical(jax.random.key(42), jnp.log(topk_values + 1e-12), axis=1)[:, None]
    neg = jnp.take_along_axis(topk_indices, samp, axis=1).reshape(b, l, 1).astype(jnp.float32)
    neg_g = jnp.take_along_axis(neg[:, :, 0], mask_indices, axis=1)[:, :, None]
    neg = neg_g * masked_neg + ind * (1.0 - masked_neg)
    neg_idx = neg.reshape(b * l, 1).astype(jnp.int32)
    enc = jnp.zeros((b * l, K), dtype=jnp.float32).at[jnp.arange(b * l)[:, None], neg_idx].set(1.0)
    neg_quantize = (enc @ embed).reshape(b, l, -1)
    neg_quantize = neg_quantize * emb_score + xq_img2 * img_score
    embedded_pt = embedded_pt + pos
    neg_quantize = neg_quantize + pos
    xq_out = _layernorm(embedded_pt, ln_g, ln_b)
    neg_out = _layernorm(neg_quantize, ln_g, ln_b)
    return (xq_out, neg_out)

if __name__ == "__main__":
    import jax
    _d = setup_inputs()
    print(jax.jit(kernel)(*tuple(_d.values())))

</pallas_src>

<mosaic_0001>
#map = affine_map<(d0, d1) -> (0, 0)>
#map1 = affine_map<(d0, d1) -> (0)>
module attributes {stable_mosaic.version = 14 : i64} {
  func.func @gather_k(%arg0: i32, %arg1: i32, %arg2: memref<8192x128xf32, #tpu.memory_space<hbm>>, %arg3: memref<8192xi32, #tpu.memory_space<hbm>>, %arg4: memref<8192xi32, #tpu.memory_space<hbm>>, %arg5: memref<8192x128xf32, #tpu.memory_space<hbm>>, %arg6: memref<8192x128xf32, #tpu.memory_space<hbm>>, %arg7: memref<256xi32, #tpu.memory_space<vmem>>, %arg8: memref<256xi32, #tpu.memory_space<vmem>>, %arg9: memref<256x128xf32, #tpu.memory_space<vmem>>, %arg10: memref<256x128xf32, #tpu.memory_space<vmem>>, %arg11: memref<!tpu.dma_semaphore, #tpu.memory_space<semaphore_mem>>, %arg12: memref<!tpu.dma_semaphore, #tpu.memory_space<semaphore_mem>>, %arg13: memref<!tpu.dma_semaphore, #tpu.memory_space<semaphore_mem>>, %arg14: memref<!tpu.dma_semaphore, #tpu.memory_space<semaphore_mem>>, %arg15: memref<!tpu.dma_semaphore, #tpu.memory_space<semaphore_mem>>, %arg16: memref<!tpu.dma_semaphore, #tpu.memory_space<semaphore_mem>>) attributes {dimension_semantics = [#tpu.dimension_semantics<core_parallel>, #tpu.dimension_semantics<subcore_parallel>], iteration_bounds = array<i64: 2, 16>, scalar_prefetch = 0 : i64, scratch_operands = 10 : i64, tpu.core_type = #tpu.core_type<sc_vector_subcore>, window_params = [{transform_indices = #map}, {transform_indices = #map1}, {transform_indices = #map1}, {transform_indices = #map}, {transform_indices = #map}]} {
    %mul3A = arith.constant 2 : i32
    %mul3A_0 = arith.muli %arg1, %mul3A : i32
    %add3A = arith.addi %mul3A_0, %arg0 : i32
    %mul3A_1 = arith.constant 256 : i32
    %mul3A_2 = arith.muli %add3A, %mul3A_1 : i32
    %add3A_3 = arith.constant 0 : i32
    %add3A_4 = arith.addi %mul3A_2, %add3A_3 : i32
    %mul3A_5 = arith.constant 256 : i32
    %mul3A_6 = arith.muli %add3A, %mul3A_5 : i32
    %add3A_7 = arith.constant 0 : i32
    %add3A_8 = arith.addi %mul3A_6, %add3A_7 : i32
    %dma_start3A = tpu.memref_slice %arg3[%add3A_4] : memref<8192xi32, #tpu.memory_space<hbm>> -> memref<256xi32, #tpu.memory_space<hbm>>
    %dma_start3A_9 = tpu.memref_slice %arg3[%add3A_4] : memref<8192xi32, #tpu.memory_space<hbm>> -> memref<256xi32, #tpu.memory_space<hbm>>
    tpu.enqueue_dma source(%dma_start3A_9 : memref<256xi32, #tpu.memory_space<hbm>>) target(%arg7 : memref<256xi32, #tpu.memory_space<vmem>>) target_semaphore(%arg11 : memref<!tpu.dma_semaphore, #tpu.memory_space<semaphore_mem>>)
    %dma_start3A_10 = tpu.memref_slice %arg4[%add3A_8] : memref<8192xi32, #tpu.memory_space<hbm>> -> memref<256xi32, #tpu.memory_space<hbm>>
    %dma_start3A_11 = tpu.memref_slice %arg4[%add3A_8] : memref<8192xi32, #tpu.memory_space<hbm>> -> memref<256xi32, #tpu.memory_space<hbm>>
    tpu.enqueue_dma source(%dma_start3A_11 : memref<256xi32, #tpu.memory_space<hbm>>) target(%arg8 : memref<256xi32, #tpu.memory_space<vmem>>) target_semaphore(%arg12 : memref<!tpu.dma_semaphore, #tpu.memory_space<semaphore_mem>>)
    %dma_wait3A = tpu.memref_slice %arg3[%add3A_4] : memref<8192xi32, #tpu.memory_space<hbm>> -> memref<256xi32, #tpu.memory_space<hbm>>
    %dma_wait3A_12 = tpu.memref_slice %arg3[%add3A_4] : memref<8192xi32, #tpu.memory_space<hbm>> -> memref<256xi32, #tpu.memory_space<hbm>>
    tpu.wait_dma2 semaphore(%arg11 : memref<!tpu.dma_semaphore, #tpu.memory_space<semaphore_mem>>) src(%dma_wait3A_12 : memref<256xi32, #tpu.memory_space<hbm>>) dst(%arg7 : memref<256xi32, #tpu.memory_space<vmem>>)
    %dma_start3A_13 = arith.constant 0 : i32
    %dma_start3A_14 = arith.constant 0 : i32
    %dma_start3A_15 = tpu.memref_slice %arg2[%dma_start3A_13, %dma_start3A_14] : memref<8192x128xf32, #tpu.memory_space<hbm>> -> memref<8192x128xf32, #tpu.memory_space<hbm>>
    tpu.enqueue_indirect_dma source(%dma_start3A_15 : memref<8192x128xf32, #tpu.memory_space<hbm>>) target(%arg9 : memref<256x128xf32, #tpu.memory_space<vmem>>) offsets(%arg7 : memref<256xi32, #tpu.memory_space<vmem>>) semaphore(%arg13 : memref<!tpu.dma_semaphore, #tpu.memory_space<semaphore_mem>>)
    %dma_wait3A_16 = tpu.memref_slice %arg4[%add3A_8] : memref<8192xi32, #tpu.memory_space<hbm>> -> memref<256xi32, #tpu.memory_space<hbm>>
    %dma_wait3A_17 = tpu.memref_slice %arg4[%add3A_8] : memref<8192xi32, #tpu.memory_space<hbm>> -> memref<256xi32, #tpu.memory_space<hbm>>
    tpu.wait_dma2 semaphore(%arg12 : memref<!tpu.dma_semaphore, #tpu.memory_space<semaphore_mem>>) src(%dma_wait3A_17 : memref<256xi32, #tpu.memory_space<hbm>>) dst(%arg8 : memref<256xi32, #tpu.memory_space<vmem>>)
    %dma_start3A_18 = arith.constant 0 : i32
    %dma_start3A_19 = arith.constant 0 : i32
    %dma_start3A_20 = tpu.memref_slice %arg2[%dma_start3A_18, %dma_start3A_19] : memref<8192x128xf32, #tpu.memory_space<hbm>> -> memref<8192x128xf32, #tpu.memory_space<hbm>>
    tpu.enqueue_indirect_dma source(%dma_start3A_20 : memref<8192x128xf32, #tpu.memory_space<hbm>>) target(%arg10 : memref<256x128xf32, #tpu.memory_space<vmem>>) offsets(%arg8 : memref<256xi32, #tpu.memory_space<vmem>>) semaphore(%arg14 : memref<!tpu.dma_semaphore, #tpu.memory_space<semaphore_mem>>)
    %dma_wait3A_21 = arith.constant 0 : i32
    %dma_wait3A_22 = arith.constant 0 : i32
    %dma_wait3A_23 = tpu.memref_slice %arg2[%dma_wait3A_21, %dma_wait3A_22] : memref<8192x128xf32, #tpu.memory_space<hbm>> -> memref<8192x128xf32, #tpu.memory_space<hbm>>
    tpu.wait_indirect_dma semaphore(%arg13 : memref<!tpu.dma_semaphore, #tpu.memory_space<semaphore_mem>>) src(%dma_wait3A_23 : memref<8192x128xf32, #tpu.memory_space<hbm>>) dst(%arg9 : memref<256x128xf32, #tpu.memory_space<vmem>>)
    %dma_start3A_24 = arith.constant 0 : i32
    %dma_start3A_25 = tpu.memref_slice %arg5[%add3A_4, %dma_start3A_24] : memref<8192x128xf32, #tpu.memory_space<hbm>> -> memref<256x128xf32, #tpu.memory_space<hbm>>
    %dma_start3A_26 = arith.constant 0 : i32
    %dma_start3A_27 = tpu.memref_slice %arg5[%add3A_4, %dma_start3A_26] : memref<8192x128xf32, #tpu.memory_space<hbm>> -> memref<256x128xf32, #tpu.memory_space<hbm>>
    tpu.enqueue_dma source(%arg9 : memref<256x128xf32, #tpu.memory_space<vmem>>) target(%dma_start3A_27 : memref<256x128xf32, #tpu.memory_space<hbm>>) target_semaphore(%arg15 : memref<!tpu.dma_semaphore, #tpu.memory_space<semaphore_mem>>)
    %dma_wait3A_28 = arith.constant 0 : i32
    %dma_wait3A_29 = arith.constant 0 : i32
    %dma_wait3A_30 = tpu.memref_slice %arg2[%dma_wait3A_28, %dma_wait3A_29] : memref<8192x128xf32, #tpu.memory_space<hbm>> -> memref<8192x128xf32, #tpu.memory_space<hbm>>
    tpu.wait_indirect_dma semaphore(%arg14 : memref<!tpu.dma_semaphore, #tpu.memory_space<semaphore_mem>>) src(%dma_wait3A_30 : memref<8192x128xf32, #tpu.memory_space<hbm>>) dst(%arg10 : memref<256x128xf32, #tpu.memory_space<vmem>>)
    %dma_start3A_31 = arith.constant 0 : i32
    %dma_start3A_32 = tpu.memref_slice %arg6[%add3A_8, %dma_start3A_31] : memref<8192x128xf32, #tpu.memory_space<hbm>> -> memref<256x128xf32, #tpu.memory_space<hbm>>
    %dma_start3A_33 = arith.constant 0 : i32
    %dma_start3A_34 = tpu.memref_slice %arg6[%add3A_8, %dma_start3A_33] : memref<8192x128xf32, #tpu.memory_space<hbm>> -> memref<256x128xf32, #tpu.memory_space<hbm>>
    tpu.enqueue_dma source(%arg10 : memref<256x128xf32, #tpu.memory_space<vmem>>) target(%dma_start3A_34 : memref<256x128xf32, #tpu.memory_space<hbm>>) target_semaphore(%arg16 : memref<!tpu.dma_semaphore, #tpu.memory_space<semaphore_mem>>)
    %dma_wait3A_35 = arith.constant 0 : i32
    %dma_wait3A_36 = tpu.memref_slice %arg5[%add3A_4, %dma_wait3A_35] : memref<8192x128xf32, #tpu.memory_space<hbm>> -> memref<256x128xf32, #tpu.memory_space<hbm>>
    %dma_wait3A_37 = arith.constant 0 : i32
    %dma_wait3A_38 = tpu.memref_slice %arg5[%add3A_4, %dma_wait3A_37] : memref<8192x128xf32, #tpu.memory_space<hbm>> -> memref<256x128xf32, #tpu.memory_space<hbm>>
    tpu.wait_dma2 semaphore(%arg15 : memref<!tpu.dma_semaphore, #tpu.memory_space<semaphore_mem>>) src(%arg9 : memref<256x128xf32, #tpu.memory_space<vmem>>) dst(%dma_wait3A_38 : memref<256x128xf32, #tpu.memory_space<hbm>>)
    %dma_wait3A_39 = arith.constant 0 : i32
    %dma_wait3A_40 = tpu.memref_slice %arg6[%add3A_8, %dma_wait3A_39] : memref<8192x128xf32, #tpu.memory_space<hbm>> -> memref<256x128xf32, #tpu.memory_space<hbm>>
    %dma_wait3A_41 = arith.constant 0 : i32
    %dma_wait3A_42 = tpu.memref_slice %arg6[%add3A_8, %dma_wait3A_41] : memref<8192x128xf32, #tpu.memory_space<hbm>> -> memref<256x128xf32, #tpu.memory_space<hbm>>
    tpu.wait_dma2 semaphore(%arg16 : memref<!tpu.dma_semaphore, #tpu.memory_space<semaphore_mem>>) src(%arg10 : memref<256x128xf32, #tpu.memory_space<vmem>>) dst(%dma_wait3A_42 : memref<256x128xf32, #tpu.memory_space<hbm>>)
    return
  }
}

module attributes {stable_mosaic.version = 14 : i64} {
  func.func @_xq_argmin_body(%arg0: i32, %arg1: memref<512x768xf32, #tpu.memory_space<vmem>>, %arg2: memref<768x64xf32, #tpu.memory_space<vmem>>, %arg3: memref<1x64xf32, #tpu.memory_space<vmem>>, %arg4: memref<1x64xf32, #tpu.memory_space<vmem>>, %arg5: memref<1x64xf32, #tpu.memory_space<vmem>>, %arg6: memref<64x8192xf32, #tpu.memory_space<vmem>>, %arg7: memref<1x8192xf32, #tpu.memory_space<vmem>>, %arg8: memref<512x64xf32, #tpu.memory_space<vmem>>, %arg9: memref<1x1x512xi32, #tpu.memory_space<vmem>>) attributes {dimension_semantics = [#tpu.dimension_semantics<arbitrary>], iteration_bounds = array<i64: 16>, scalar_prefetch = 0 : i64, scratch_operands = 0 : i64, tpu.core_type = #tpu.core_type<tc>, window_params = [{transform_indices = @transform_0, window_bounds = array<i64: 512, 768>}, {pipeline_mode = #tpu.pipeline_mode<synchronous>, transform_indices = @transform_1, window_bounds = array<i64: 768, 64>}, {pipeline_mode = #tpu.pipeline_mode<synchronous>, transform_indices = @transform_2, window_bounds = array<i64: 1, 64>}, {pipeline_mode = #tpu.pipeline_mode<synchronous>, transform_indices = @transform_3, window_bounds = array<i64: 1, 64>}, {pipeline_mode = #tpu.pipeline_mode<synchronous>, transform_indices = @transform_4, window_bounds = array<i64: 1, 64>}, {pipeline_mode = #tpu.pipeline_mode<synchronous>, transform_indices = @transform_5, window_bounds = array<i64: 64, 8192>}, {pipeline_mode = #tpu.pipeline_mode<synchronous>, transform_indices = @transform_6, window_bounds = array<i64: 1, 8192>}, {transform_indices = @transform_7, window_bounds = array<i64: 512, 64>}, {transform_indices = @transform_8, window_bounds = array<i64: 1, 1, 512>}]} {
    %get3A = arith.constant 0 : index
    %get3A_0 = arith.constant 0 : index
    %get3A_1 = vector.load %arg1[%get3A, %get3A_0] : memref<512x768xf32, #tpu.memory_space<vmem>>, vector<512x768xf32>
    %get3A_2 = arith.constant 0 : index
    %get3A_3 = arith.constant 0 : index
    %get3A_4 = vector.load %arg2[%get3A_2, %get3A_3] : memref<768x64xf32, #tpu.memory_space<vmem>>, vector<768x64xf32>
    %dot_general3A = arith.constant dense<0.000000e+00> : vector<512x64xf32>
    %dot_general3A_5 = tpu.matmul %get3A_1, %get3A_4, %dot_general3A {dimension_numbers = #tpu.dot_dimension_numbers<[1], [0], [0], [1], [0, 0, 1, 1], [], []>, transpose_lhs_hint = false} : vector<512x768xf32>, vector<768x64xf32>, vector<512x64xf32> -> vector<512x64xf32>
    %get3A_6 = arith.constant 0 : index
    %get3A_7 = arith.constant 0 : index
    %get3A_8 = vector.load %arg3[%get3A_6, %get3A_7] : memref<1x64xf32, #tpu.memory_space<vmem>>, vector<1x64xf32>
    %add3A = vector.broadcast %get3A_8 : vector<1x64xf32> to vector<512x64xf32>
    %add3A_9 = arith.addf %dot_general3A_5, %add3A : vector<512x64xf32>
    %reduce_sum3A = arith.constant dense<0.000000e+00> : vector<512xf32>
    %reduce_sum3A_10 = vector.multi_reduction <add>, %add3A_9, %reduce_sum3A [1] : vector<512x64xf32> to vector<512xf32>
    %broadcast_in_dim3A = vector.shape_cast %reduce_sum3A_10 : vector<512xf32> to vector<512x1xf32>
    %div3A = arith.constant 6.400000e+01 : f32
    %div3A_11 = vector.broadcast %div3A : f32 to vector<512x1xf32>
    %div3A_12 = arith.divf %broadcast_in_dim3A, %div3A_11 : vector<512x1xf32>
    %sub3A = vector.broadcast %div3A_12 : vector<512x1xf32> to vector<512x64xf32>
    %sub3A_13 = arith.subf %add3A_9, %sub3A : vector<512x64xf32>
    %mul3A = arith.mulf %sub3A_13, %sub3A_13 : vector<512x64xf32>
    %reduce_sum3A_14 = arith.constant dense<0.000000e+00> : vector<512xf32>
    %reduce_sum3A_15 = vector.multi_reduction <add>, %mul3A, %reduce_sum3A_14 [1] : vector<512x64xf32> to vector<512xf32>
    %broadcast_in_dim3A_16 = vector.shape_cast %reduce_sum3A_15 : vector<512xf32> to vector<512x1xf32>
    %div3A_17 = arith.constant 6.400000e+01 : f32
    %div3A_18 = vector.broadcast %div3A_17 : f32 to vector<512x1xf32>
    %div3A_19 = arith.divf %broadcast_in_dim3A_16, %div3A_18 : vector<512x1xf32>
    %add3A_20 = arith.constant 9.99999974E-6 : f32
    %add3A_21 = vector.broadcast %add3A_20 : f32 to vector<512x1xf32>
    %add3A_22 = arith.addf %div3A_19, %add3A_21 : vector<512x1xf32>
    %sqrt3A = math.sqrt %add3A_22 : vector<512x1xf32>
    %div3A_23 = vector.broadcast %sqrt3A : vector<512x1xf32> to vector<512x64xf32>
    %div3A_24 = arith.divf %sub3A_13, %div3A_23 : vector<512x64xf32>
    %get3A_25 = arith.constant 0 : index
    %get3A_26 = arith.constant 0 : index
    %get3A_27 = vector.load %arg4[%get3A_25, %get3A_26] : memref<1x64xf32, #tpu.memory_space<vmem>>, vector<1x64xf32>
    %mul3A_28 = vector.broadcast %get3A_27 : vector<1x64xf32> to vector<512x64xf32>
    %mul3A_29 = arith.mulf %div3A_24, %mul3A_28 : vector<512x64xf32>
    %get3A_30 = arith.constant 0 : index
    %get3A_31 = arith.constant 0 : index
    %get3A_32 = vector.load %arg5[%get3A_30, %get3A_31] : memref<1x64xf32, #tpu.memory_space<vmem>>, vector<1x64xf32>
    %add3A_33 = vector.broadcast %get3A_32 : vector<1x64xf32> to vector<512x64xf32>
    %add3A_34 = arith.addf %mul3A_29, %add3A_33 : vector<512x64xf32>
    %max3A = arith.constant 0.000000e+00 : f32
    %max3A_35 = vector.broadcast %max3A : f32 to vector<512x64xf32>
    %max3A_36 = arith.maximumf %add3A_34, %max3A_35 : vector<512x64xf32>
    %mul3A_37 = arith.mulf %max3A_36, %max3A_36 : vector<512x64xf32>
    %reduce_sum3A_38 = arith.constant dense<0.000000e+00> : vector<512xf32>
    %reduce_sum3A_39 = vector.multi_reduction <add>, %mul3A_37, %reduce_sum3A_38 [1] : vector<512x64xf32> to vector<512xf32>
    %broadcast_in_dim3A_40 = vector.shape_cast %reduce_sum3A_39 : vector<512xf32> to vector<512x1xf32>
    %get3A_41 = arith.constant 0 : index
    %get3A_42 = arith.constant 0 : index
    %get3A_43 = vector.load %arg6[%get3A_41, %get3A_42] : memref<64x8192xf32, #tpu.memory_space<vmem>>, vector<64x2048xf32>
    %get3A_44 = arith.constant 0 : index
    %get3A_45 = arith.constant 0 : index
    %get3A_46 = vector.load %arg7[%get3A_44, %get3A_45] : memref<1x8192xf32, #tpu.memory_space<vmem>>, vector<1x2048xf32>
    %dot_general3A_47 = arith.constant dense<0.000000e+00> : vector<512x2048xf32>
    %dot_general3A_48 = tpu.matmul %max3A_36, %get3A_43, %dot_general3A_47 {dimension_numbers = #tpu.dot_dimension_numbers<[1], [0], [0], [1], [0, 0, 1, 1], [], []>, transpose_lhs_hint = false} : vector<512x64xf32>, vector<64x2048xf32>, vector<512x2048xf32> -> vector<512x2048xf32>
    %add3A_49 = vector.broadcast %broadcast_in_dim3A_40 : vector<512x1xf32> to vector<512x2048xf32>
    %add3A_50 = vector.broadcast %get3A_46 : vector<1x2048xf32> to vector<512x2048xf32>
    %add3A_51 = arith.addf %add3A_49, %add3A_50 : vector<512x2048xf32>
    %sub3A_52 = arith.subf %add3A_51, %dot_general3A_48 : vector<512x2048xf32>
    %reduce_min3A = arith.constant dense<0x7F800000> : vector<512xf32>
    %reduce_min3A_53 = vector.multi_reduction <minimumf>, %sub3A_52, %reduce_min3A [1] : vector<512x2048xf32> to vector<512xf32>
    %broadcast_in_dim3A_54 = vector.shape_cast %reduce_min3A_53 : vector<512xf32> to vector<512x1xf32>
    %iota3A = tpu.iota {dimensions = array<i32: 1>} : vector<512x2048xi32>
    %le3A = vector.broadcast %broadcast_in_dim3A_54 : vector<512x1xf32> to vector<512x2048xf32>
    %le3A_55 = arith.cmpf ole, %sub3A_52, %le3A : vector<512x2048xf32>
    %jit3A = arith.constant 1073741824 : i32
    %broadcast_in_dim3A_56 = vector.broadcast %jit3A : i32 to vector<512x2048xi32>
    %select_n3A = arith.select %le3A_55, %iota3A, %broadcast_in_dim3A_56 : vector<512x2048xi1>, vector<512x2048xi32>
    %reduce_min3A_57 = arith.constant dense<2147483647> : vector<512xi32>
    %reduce_min3A_58 = vector.multi_reduction <minsi>, %select_n3A, %reduce_min3A_57 [1] : vector<512x2048xi32> to vector<512xi32>
    %broadcast_in_dim3A_59 = vector.shape_cast %reduce_min3A_58 : vector<512xi32> to vector<512x1xi32>
    %add3A_60 = arith.constant 0 : i32
    %add3A_61 = vector.broadcast %add3A_60 : i32 to vector<512x1xi32>
    %add3A_62 = arith.addi %broadcast_in_dim3A_59, %add3A_61 : vector<512x1xi32>
    %get3A_63 = arith.constant 0 : index
    %get3A_64 = arith.constant 2048 : index
    %get3A_65 = vector.load %arg6[%get3A_63, %get3A_64] : memref<64x8192xf32, #tpu.memory_space<vmem>>, vector<64x2048xf32>
    %get3A_66 = arith.constant 0 : index
    %get3A_67 = arith.constant 2048 : index
    %get3A_68 = vector.load %arg7[%get3A_66, %get3A_67] : memref<1x8192xf32, #tpu.memory_space<vmem>>, vector<1x2048xf32>
    %dot_general3A_69 = arith.constant dense<0.000000e+00> : vector<512x2048xf32>
    %dot_general3A_70 = tpu.matmul %max3A_36, %get3A_65, %dot_general3A_69 {dimension_numbers = #tpu.dot_dimension_numbers<[1], [0], [0], [1], [0, 0, 1, 1], [], []>, transpose_lhs_hint = false} : vector<512x64xf32>, vector<64x2048xf32>, vector<512x2048xf32> -> vector<512x2048xf32>
    %add3A_71 = vector.broadcast %broadcast_in_dim3A_40 : vector<512x1xf32> to vector<512x2048xf32>
    %add3A_72 = vector.broadcast %get3A_68 : vector<1x2048xf32> to vector<512x2048xf32>
    %add3A_73 = arith.addf %add3A_71, %add3A_72 : vector<512x2048xf32>
    %sub3A_74 = arith.subf %add3A_73, %dot_general3A_70 : vector<512x2048xf32>
    %reduce_min3A_75 = arith.constant dense<0x7F800000> : vector<512xf32>
    %reduce_min3A_76 = vector.multi_reduction <minimumf>, %sub3A_74, %reduce_min3A_75 [1] : vector<512x2048xf32> to vector<512xf32>
    %broadcast_in_dim3A_77 = vector.shape_cast %reduce_min3A_76 : vector<512xf32> to vector<512x1xf32>
    %iota3A_78 = tpu.iota {dimensions = array<i32: 1>} : vector<512x2048xi32>
    %le3A_79 = vector.broadcast %broadcast_in_dim3A_77 : vector<512x1xf32> to vector<512x2048xf32>
    %le3A_80 = arith.cmpf ole, %sub3A_74, %le3A_79 : vector<512x2048xf32>
    %jit3A_81 = arith.constant 1073741824 : i32
    %broadcast_in_dim3A_82 = vector.broadcast %jit3A_81 : i32 to vector<512x2048xi32>
    %select_n3A_83 = arith.select %le3A_80, %iota3A_78, %broadcast_in_dim3A_82 : vector<512x2048xi1>, vector<512x2048xi32>
    %reduce_min3A_84 = arith.constant dense<2147483647> : vector<512xi32>
    %reduce_min3A_85 = vector.multi_reduction <minsi>, %select_n3A_83, %reduce_min3A_84 [1] : vector<512x2048xi32> to vector<512xi32>
    %broadcast_in_dim3A_86 = vector.shape_cast %reduce_min3A_85 : vector<512xi32> to vector<512x1xi32>
    %add3A_87 = arith.constant 2048 : i32
    %add3A_88 = vector.broadcast %add3A_87 : i32 to vector<512x1xi32>
    %add3A_89 = arith.addi %broadcast_in_dim3A_86, %add3A_88 : vector<512x1xi32>
    %lt3A = arith.cmpf olt, %broadcast_in_dim3A_77, %broadcast_in_dim3A_54 : vector<512x1xf32>
    %select_n3A_90 = arith.select %lt3A, %broadcast_in_dim3A_77, %broadcast_in_dim3A_54 : vector<512x1xi1>, vector<512x1xf32>
    %select_n3A_91 = arith.select %lt3A, %add3A_89, %add3A_62 : vector<512x1xi1>, vector<512x1xi32>
    %get3A_92 = arith.constant 0 : index
    %get3A_93 = arith.constant 4096 : index
    %get3A_94 = vector.load %arg6[%get3A_92, %get3A_93] : memref<64x8192xf32, #tpu.memory_space<vmem>>, vector<64x2048xf32>
    %get3A_95 = arith.constant 0 : index
    %get3A_96 = arith.constant 4096 : index
    %get3A_97 = vector.load %arg7[%get3A_95, %get3A_96] : memref<1x8192xf32, #tpu.memory_space<vmem>>, vector<1x2048xf32>
    %dot_general3A_98 = arith.constant dense<0.000000e+00> : vector<512x2048xf32>
    %dot_general3A_99 = tpu.matmul %max3A_36, %get3A_94, %dot_general3A_98 {dimension_numbers = #tpu.dot_dimension_numbers<[1], [0], [0], [1], [0, 0, 1, 1], [], []>, transpose_lhs_hint = false} : vector<512x64xf32>, vector<64x2048xf32>, vector<512x2048xf32> -> vector<512x2048xf32>
    %add3A_100 = vector.broadcast %broadcast_in_dim3A_40 : vector<512x1xf32> to vector<512x2048xf32>
    %add3A_101 = vector.broadcast %get3A_97 : vector<1x2048xf32> to vector<512x2048xf32>
    %add3A_102 = arith.addf %add3A_100, %add3A_101 : vector<512x2048xf32>
    %sub3A_103 = arith.subf %add3A_102, %dot_general3A_99 : vector<512x2048xf32>
    %reduce_min3A_104 = arith.constant dense<0x7F800000> : vector<512xf32>
    %reduce_min3A_105 = vector.multi_reduction <minimumf>, %sub3A_103, %reduce_min3A_104 [1] : vector<512x2048xf32> to vector<512xf32>
    %broadcast_in_dim3A_106 = vector.shape_cast %reduce_min3A_105 : vector<512xf32> to vector<512x1xf32>
    %iota3A_107 = tpu.iota {dimensions = array<i32: 1>} : vector<512x2048xi32>
    %le3A_108 = vector.broadcast %broadcast_in_dim3A_106 : vector<512x1xf32> to vector<512x2048xf32>
    %le3A_109 = arith.cmpf ole, %sub3A_103, %le3A_108 : vector<512x2048xf32>
    %jit3A_110 = arith.constant 1073741824 : i32
    %broadcast_in_dim3A_111 = vector.broadcast %jit3A_110 : i32 to vector<512x2048xi32>
    %select_n3A_112 = arith.select %le3A_109, %iota3A_107, %broadcast_in_dim3A_111 : vector<512x2048xi1>, vector<512x2048xi32>
    %reduce_min3A_113 = arith.constant dense<2147483647> : vector<512xi32>
    %reduce_min3A_114 = vector.multi_reduction <minsi>, %select_n3A_112, %reduce_min3A_113 [1] : vector<512x2048xi32> to vector<512xi32>
    %broadcast_in_dim3A_115 = vector.shape_cast %reduce_min3A_114 : vector<512xi32> to vector<512x1xi32>
    %add3A_116 = arith.constant 4096 : i32
    %add3A_117 = vector.broadcast %add3A_116 : i32 to vector<512x1xi32>
    %add3A_118 = arith.addi %broadcast_in_dim3A_115, %add3A_117 : vector<512x1xi32>
    %lt3A_119 = arith.cmpf olt, %broadcast_in_dim3A_106, %select_n3A_90 : vector<512x1xf32>
    %select_n3A_120 = arith.select %lt3A_119, %broadcast_in_dim3A_106, %select_n3A_90 : vector<512x1xi1>, vector<512x1xf32>
    %select_n3A_121 = arith.select %lt3A_119, %add3A_118, %select_n3A_91 : vector<512x1xi1>, vector<512x1xi32>
    %get3A_122 = arith.constant 0 : index
    %get3A_123 = arith.constant 6144 : index
    %get3A_124 = vector.load %arg6[%get3A_122, %get3A_123] : memref<64x8192xf32, #tpu.memory_space<vmem>>, vector<64x2048xf32>
    %get3A_125 = arith.constant 0 : index
    %get3A_126 = arith.constant 6144 : index
    %get3A_127 = vector.load %arg7[%get3A_125, %get3A_126] : memref<1x8192xf32, #tpu.memory_space<vmem>>, vector<1x2048xf32>
    %dot_general3A_128 = arith.constant dense<0.000000e+00> : vector<512x2048xf32>
    %dot_general3A_129 = tpu.matmul %max3A_36, %get3A_124, %dot_general3A_128 {dimension_numbers = #tpu.dot_dimension_numbers<[1], [0], [0], [1], [0, 0, 1, 1], [], []>, transpose_lhs_hint = false} : vector<512x64xf32>, vector<64x2048xf32>, vector<512x2048xf32> -> vector<512x2048xf32>
    %add3A_130 = vector.broadcast %broadcast_in_dim3A_40 : vector<512x1xf32> to vector<512x2048xf32>
    %add3A_131 = vector.broadcast %get3A_127 : vector<1x2048xf32> to vector<512x2048xf32>
    %add3A_132 = arith.addf %add3A_130, %add3A_131 : vector<512x2048xf32>
    %sub3A_133 = arith.subf %add3A_132, %dot_general3A_129 : vector<512x2048xf32>
    %reduce_min3A_134 = arith.constant dense<0x7F800000> : vector<512xf32>
    %reduce_min3A_135 = vector.multi_reduction <minimumf>, %sub3A_133, %reduce_min3A_134 [1] : vector<512x2048xf32> to vector<512xf32>
    %broadcast_in_dim3A_136 = vector.shape_cast %reduce_min3A_135 : vector<512xf32> to vector<512x1xf32>
    %iota3A_137 = tpu.iota {dimensions = array<i32: 1>} : vector<512x2048xi32>
    %le3A_138 = vector.broadcast %broadcast_in_dim3A_136 : vector<512x1xf32> to vector<512x2048xf32>
    %le3A_139 = arith.cmpf ole, %sub3A_133, %le3A_138 : vector<512x2048xf32>
    %jit3A_140 = arith.constant 1073741824 : i32
    %broadcast_in_dim3A_141 = vector.broadcast %jit3A_140 : i32 to vector<512x2048xi32>
    %select_n3A_142 = arith.select %le3A_139, %iota3A_137, %broadcast_in_dim3A_141 : vector<512x2048xi1>, vector<512x2048xi32>
    %reduce_min3A_143 = arith.constant dense<2147483647> : vector<512xi32>
    %reduce_min3A_144 = vector.multi_reduction <minsi>, %select_n3A_142, %reduce_min3A_143 [1] : vector<512x2048xi32> to vector<512xi32>
    %broadcast_in_dim3A_145 = vector.shape_cast %reduce_min3A_144 : vector<512xi32> to vector<512x1xi32>
    %add3A_146 = arith.constant 6144 : i32
    %add3A_147 = vector.broadcast %add3A_146 : i32 to vector<512x1xi32>
    %add3A_148 = arith.addi %broadcast_in_dim3A_145, %add3A_147 : vector<512x1xi32>
    %lt3A_149 = arith.cmpf olt, %broadcast_in_dim3A_136, %select_n3A_120 : vector<512x1xf32>
    %select_n3A_150 = arith.select %lt3A_149, %add3A_148, %select_n3A_121 : vector<512x1xi1>, vector<512x1xi32>
    %swap3A = arith.constant 0 : index
    %swap3A_151 = arith.constant 0 : index
    %swap3A_152 = vector.load %arg8[%swap3A, %swap3A_151] : memref<512x64xf32, #tpu.memory_space<vmem>>, vector<512x64xf32>
    tpu.vector_store %arg8[%swap3A, %swap3A_151], %max3A_36 {strides = array<i32>} : memref<512x64xf32, #tpu.memory_space<vmem>>, vector<512x64xf32>,
    %convert_element_type3A = arith.sitofp %select_n3A_150 : vector<512x1xi32> to vector<512x1xf32>
    %transpose3A = tpu.transpose %convert_element_type3A, [1, 0] : vector<512x1xf32> -> vector<1x512xf32>
    %reshape3A = vector.shape_cast %transpose3A : vector<1x512xf32> to vector<1x1x512xf32>
    %convert_element_type3A_153 = arith.fptosi %reshape3A : vector<1x1x512xf32> to vector<1x1x512xi32>
    %swap3A_154 = arith.constant 0 : index
    %swap3A_155 = arith.constant 0 : index
    %swap3A_156 = arith.constant 0 : index
    %swap3A_157 = vector.load %arg9[%swap3A_154, %swap3A_155, %swap3A_156] : memref<1x1x512xi32, #tpu.memory_space<vmem>>, vector<1x1x512xi32>
    tpu.vector_store %arg9[%swap3A_154, %swap3A_155, %swap3A_156], %convert_element_type3A_153 {strides = array<i32>} : memref<1x1x512xi32, #tpu.memory_space<vmem>>, vector<1x1x512xi32>,
    return
  }
  func.func @transform_0(%arg0: i32) -> (i32, i32) {
    %c0_i32 = arith.constant 0 : i32
    %c0_i32_0 = arith.constant 0 : i32
    return %arg0, %c0_i32 : i32, i32
  }
  func.func @transform_1(%arg0: i32) -> (i32, i32) {
    %c0_i32 = arith.constant 0 : i32
    %c0_i32_0 = arith.constant 0 : i32
    %c0_i32_1 = arith.constant 0 : i32
    return %c0_i32, %c0_i32_0 : i32, i32
  }
  func.func @transform_2(%arg0: i32) -> (i32, i32) {
    %c0_i32 = arith.constant 0 : i32
    %c0_i32_0 = arith.constant 0 : i32
    %c0_i32_1 = arith.constant 0 : i32
    return %c0_i32, %c0_i32_0 : i32, i32
  }
  func.func @transform_3(%arg0: i32) -> (i32, i32) {
    %c0_i32 = arith.constant 0 : i32
    %c0_i32_0 = arith.constant 0 : i32
    %c0_i32_1 = arith.constant 0 : i32
    return %c0_i32, %c0_i32_0 : i32, i32
  }
  func.func @transform_4(%arg0: i32) -> (i32, i32) {
    %c0_i32 = arith.constant 0 : i32
    %c0_i32_0 = arith.constant 0 : i32
    %c0_i32_1 = arith.constant 0 : i32
    return %c0_i32, %c0_i32_0 : i32, i32
  }
  func.func @transform_5(%arg0: i32) -> (i32, i32) {
    %c0_i32 = arith.constant 0 : i32
    %c0_i32_0 = arith.constant 0 : i32
    %c0_i32_1 = arith.constant 0 : i32
    return %c0_i32, %c0_i32_0 : i32, i32
  }
  func.func @transform_6(%arg0: i32) -> (i32, i32) {
    %c0_i32 = arith.constant 0 : i32
    %c0_i32_0 = arith.constant 0 : i32
    %c0_i32_1 = arith.constant 0 : i32
    return %c0_i32, %c0_i32_0 : i32, i32
  }
  func.func @transform_7(%arg0: i32) -> (i32, i32) {
    %c0_i32 = arith.constant 0 : i32
    %c0_i32_0 = arith.constant 0 : i32
    return %arg0, %c0_i32 : i32, i32
  }
  func.func @transform_8(%arg0: i32) -> (i32, i32, i32) {
    %c0_i32 = arith.constant 0 : i32
    %c0_i32_0 = arith.constant 0 : i32
    %c0_i32_1 = arith.constant 0 : i32
    return %arg0, %c0_i32, %c0_i32_0 : i32, i32, i32
  }
}

module attributes {stable_mosaic.version = 14 : i64} {
  func.func @_table_body(%arg0: memref<8192x64xf32, #tpu.memory_space<vmem>>, %arg1: memref<64x64xf32, #tpu.memory_space<vmem>>, %arg2: memref<8192x128xf32, #tpu.memory_space<vmem>>) attributes {dimension_semantics = [], scalar_prefetch = 0 : i64, scratch_operands = 0 : i64, tpu.core_type = #tpu.core_type<tc>} {
    %get3A = arith.constant 0 : index
    %get3A_0 = arith.constant 0 : index
    %get3A_1 = vector.load %arg0[%get3A, %get3A_0] : memref<8192x64xf32, #tpu.memory_space<vmem>>, vector<8192x64xf32>
    %convert_element_type3A = arith.truncf %get3A_1 : vector<8192x64xf32> to vector<8192x64xbf16>
    %convert_element_type3A_2 = arith.extf %convert_element_type3A : vector<8192x64xbf16> to vector<8192x64xf32>
    %swap3A = arith.constant 0 : index
    %swap3A_3 = arith.constant 0 : index
    %swap3A_4 = vector.load %arg2[%swap3A, %swap3A_3] : memref<8192x128xf32, #tpu.memory_space<vmem>>, vector<8192x64xf32>
    tpu.vector_store %arg2[%swap3A, %swap3A_3], %convert_element_type3A_2 {strides = array<i32>} : memref<8192x128xf32, #tpu.memory_space<vmem>>, vector<8192x64xf32>,
    %get3A_5 = arith.constant 0 : index
    %get3A_6 = arith.constant 0 : index
    %get3A_7 = vector.load %arg1[%get3A_5, %get3A_6] : memref<64x64xf32, #tpu.memory_space<vmem>>, vector<64x64xf32>
    %dot_general3A = arith.constant dense<0.000000e+00> : vector<8192x64xf32>
    %dot_general3A_8 = tpu.matmul %get3A_1, %get3A_7, %dot_general3A {dimension_numbers = #tpu.dot_dimension_numbers<[1], [0], [0], [1], [0, 0, 1, 1], [], []>, transpose_lhs_hint = false} : vector<8192x64xf32>, vector<64x64xf32>, vector<8192x64xf32> -> vector<8192x64xf32>
    %swap3A_9 = arith.constant 0 : index
    %swap3A_10 = arith.constant 64 : index
    %swap3A_11 = vector.load %arg2[%swap3A_9, %swap3A_10] : memref<8192x128xf32, #tpu.memory_space<vmem>>, vector<8192x64xf32>
    tpu.vector_store %arg2[%swap3A_9, %swap3A_10], %dot_general3A_8 {strides = array<i32>} : memref<8192x128xf32, #tpu.memory_space<vmem>>, vector<8192x64xf32>,
    return
  }
}

module attributes {stable_mosaic.version = 14 : i64} {
  func.func @_sampling_body(%arg0: memref<8x1xi32, #tpu.memory_space<smem>>, %arg1: memref<8192x64xf32, #tpu.memory_space<vmem>>, %arg2: memref<64x8192xf32, #tpu.memory_space<vmem>>, %arg3: memref<1x8192xf32, #tpu.memory_space<vmem>>, %arg4: memref<8x1024xi32, #tpu.memory_space<vmem>>, %arg5: memref<8192x8xf32, #tpu.memory_space<vmem>>, %arg6: memref<8x1024xi32, #tpu.memory_space<vmem>>) attributes {dimension_semantics = [], scalar_prefetch = 0 : i64, scratch_operands = 0 : i64, tpu.core_type = #tpu.core_type<tc>} {
    %get3A = arith.constant 0 : index
    %get3A_0 = arith.constant 0 : index
    %get3A_1 = memref.load %arg0[%get3A, %get3A_0] : memref<8x1xi32, #tpu.memory_space<smem>>
    %add3A = arith.constant 0 : i32
    %add3A_2 = arith.addi %add3A, %get3A_1 : i32
    %get3A_3 = arith.index_cast %add3A_2 : i32 to index
    %get3A_4 = arith.constant 0 : index
    %get3A_5 = vector.load %arg1[%get3A_3, %get3A_4] : memref<8192x64xf32, #tpu.memory_space<vmem>>, vector<1x64xf32>
    %get3A_6 = arith.index_cast %add3A_2 : i32 to index
    %get3A_7 = arith.constant 0 : index
    %get3A_8 = vector.load %arg5[%get3A_6, %get3A_7] : memref<8192x8xf32, #tpu.memory_space<vmem>>, vector<1x8xf32>
    %get3A_9 = arith.constant 1 : index
    %get3A_10 = arith.constant 0 : index
    %get3A_11 = memref.load %arg0[%get3A_9, %get3A_10] : memref<8x1xi32, #tpu.memory_space<smem>>
    %add3A_12 = arith.constant 1024 : i32
    %add3A_13 = arith.addi %add3A_12, %get3A_11 : i32
    %get3A_14 = arith.index_cast %add3A_13 : i32 to index
    %get3A_15 = arith.constant 0 : index
    %get3A_16 = vector.load %arg1[%get3A_14, %get3A_15] : memref<8192x64xf32, #tpu.memory_space<vmem>>, vector<1x64xf32>
    %get3A_17 = arith.index_cast %add3A_13 : i32 to index
    %get3A_18 = arith.constant 0 : index
    %get3A_19 = vector.load %arg5[%get3A_17, %get3A_18] : memref<8192x8xf32, #tpu.memory_space<vmem>>, vector<1x8xf32>
    %get3A_20 = arith.constant 2 : index
    %get3A_21 = arith.constant 0 : index
    %get3A_22 = memref.load %arg0[%get3A_20, %get3A_21] : memref<8x1xi32, #tpu.memory_space<smem>>
    %add3A_23 = arith.constant 2048 : i32
    %add3A_24 = arith.addi %add3A_23, %get3A_22 : i32
    %get3A_25 = arith.index_cast %add3A_24 : i32 to index
    %get3A_26 = arith.constant 0 : index
    %get3A_27 = vector.load %arg1[%get3A_25, %get3A_26] : memref<8192x64xf32, #tpu.memory_space<vmem>>, vector<1x64xf32>
    %get3A_28 = arith.index_cast %add3A_24 : i32 to index
    %get3A_29 = arith.constant 0 : index
    %get3A_30 = vector.load %arg5[%get3A_28, %get3A_29] : memref<8192x8xf32, #tpu.memory_space<vmem>>, vector<1x8xf32>
    %get3A_31 = arith.constant 3 : index
    %get3A_32 = arith.constant 0 : index
    %get3A_33 = memref.load %arg0[%get3A_31, %get3A_32] : memref<8x1xi32, #tpu.memory_space<smem>>
    %add3A_34 = arith.constant 3072 : i32
    %add3A_35 = arith.addi %add3A_34, %get3A_33 : i32
    %get3A_36 = arith.index_cast %add3A_35 : i32 to index
    %get3A_37 = arith.constant 0 : index
    %get3A_38 = vector.load %arg1[%get3A_36, %get3A_37] : memref<8192x64xf32, #tpu.memory_space<vmem>>, vector<1x64xf32>
    %get3A_39 = arith.index_cast %add3A_35 : i32 to index
    %get3A_40 = arith.constant 0 : index
    %get3A_41 = vector.load %arg5[%get3A_39, %get3A_40] : memref<8192x8xf32, #tpu.memory_space<vmem>>, vector<1x8xf32>
    %get3A_42 = arith.constant 4 : index
    %get3A_43 = arith.constant 0 : index
    %get3A_44 = memref.load %arg0[%get3A_42, %get3A_43] : memref<8x1xi32, #tpu.memory_space<smem>>
    %add3A_45 = arith.constant 4096 : i32
    %add3A_46 = arith.addi %add3A_45, %get3A_44 : i32
    %get3A_47 = arith.index_cast %add3A_46 : i32 to index
    %get3A_48 = arith.constant 0 : index
    %get3A_49 = vector.load %arg1[%get3A_47, %get3A_48] : memref<8192x64xf32, #tpu.memory_space<vmem>>, vector<1x64xf32>
    %get3A_50 = arith.index_cast %add3A_46 : i32 to index
    %get3A_51 = arith.constant 0 : index
    %get3A_52 = vector.load %arg5[%get3A_50, %get3A_51] : memref<8192x8xf32, #tpu.memory_space<vmem>>, vector<1x8xf32>
    %get3A_53 = arith.constant 5 : index
    %get3A_54 = arith.constant 0 : index
    %get3A_55 = memref.load %arg0[%get3A_53, %get3A_54] : memref<8x1xi32, #tpu.memory_space<smem>>
    %add3A_56 = arith.constant 5120 : i32
    %add3A_57 = arith.addi %add3A_56, %get3A_55 : i32
    %get3A_58 = arith.index_cast %add3A_57 : i32 to index
    %get3A_59 = arith.constant 0 : index
    %get3A_60 = vector.load %arg1[%get3A_58, %get3A_59] : memref<8192x64xf32, #tpu.memory_space<vmem>>, vector<1x64xf32>
    %get3A_61 = arith.index_cast %add3A_57 : i32 to index
    %get3A_62 = arith.constant 0 : index
    %get3A_63 = vector.load %arg5[%get3A_61, %get3A_62] : memref<8192x8xf32, #tpu.memory_space<vmem>>, vector<1x8xf32>
    %get3A_64 = arith.constant 6 : index
    %get3A_65 = arith.constant 0 : index
    %get3A_66 = memref.load %arg0[%get3A_64, %get3A_65] : memref<8x1xi32, #tpu.memory_space<smem>>
    %add3A_67 = arith.constant 6144 : i32
    %add3A_68 = arith.addi %add3A_67, %get3A_66 : i32
    %get3A_69 = arith.index_cast %add3A_68 : i32 to index
    %get3A_70 = arith.constant 0 : index
    %get3A_71 = vector.load %arg1[%get3A_69, %get3A_70] : memref<8192x64xf32, #tpu.memory_space<vmem>>, vector<1x64xf32>
    %get3A_72 = arith.index_cast %add3A_68 : i32 to index
    %get3A_73 = arith.constant 0 : index
    %get3A_74 = vector.load %arg5[%get3A_72, %get3A_73] : memref<8192x8xf32, #tpu.memory_space<vmem>>, vector<1x8xf32>
    %get3A_75 = arith.constant 7 : index
    %get3A_76 = arith.constant 0 : index
    %get3A_77 = memref.load %arg0[%get3A_75, %get3A_76] : memref<8x1xi32, #tpu.memory_space<smem>>
    %add3A_78 = arith.constant 7168 : i32
    %add3A_79 = arith.addi %add3A_78, %get3A_77 : i32
    %get3A_80 = arith.index_cast %add3A_79 : i32 to index
    %get3A_81 = arith.constant 0 : index
    %get3A_82 = vector.load %arg1[%get3A_80, %get3A_81] : memref<8192x64xf32, #tpu.memory_space<vmem>>, vector<1x64xf32>
    %get3A_83 = arith.index_cast %add3A_79 : i32 to index
    %get3A_84 = arith.constant 0 : index
    %get3A_85 = vector.load %arg5[%get3A_83, %get3A_84] : memref<8192x8xf32, #tpu.memory_space<vmem>>, vector<1x8xf32>
    %concatenate3A = tpu.concatenate %get3A_5, %get3A_16, %get3A_27, %get3A_38, %get3A_49, %get3A_60, %get3A_71, %get3A_82 in 0 : vector<1x64xf32>, vector<1x64xf32>, vector<1x64xf32>, vector<1x64xf32>, vector<1x64xf32>, vector<1x64xf32>, vector<1x64xf32>, vector<1x64xf32> -> vector<8x64xf32>
    %concatenate3A_86 = tpu.concatenate %get3A_8, %get3A_19, %get3A_30, %get3A_41, %get3A_52, %get3A_63, %get3A_74, %get3A_85 in 0 : vector<1x8xf32>, vector<1x8xf32>, vector<1x8xf32>, vector<1x8xf32>, vector<1x8xf32>, vector<1x8xf32>, vector<1x8xf32>, vector<1x8xf32> -> vector<8x8xf32>
    %get3A_87 = arith.constant 0 : index
    %get3A_88 = arith.constant 0 : index
    %get3A_89 = vector.load %arg4[%get3A_87, %get3A_88] : memref<8x1024xi32, #tpu.memory_space<vmem>>, vector<8x1024xi32>
    %iota3A = tpu.iota {dimensions = array<i32: 1>} : vector<8x1024xi32>
    %broadcast_in_dim3A = vector.broadcast %get3A_1 : i32 to vector<1x1024xi32>
    %broadcast_in_dim3A_90 = vector.broadcast %get3A_11 : i32 to vector<1x1024xi32>
    %broadcast_in_dim3A_91 = vector.broadcast %get3A_22 : i32 to vector<1x1024xi32>
    %broadcast_in_dim3A_92 = vector.broadcast %get3A_33 : i32 to vector<1x1024xi32>
    %broadcast_in_dim3A_93 = vector.broadcast %get3A_44 : i32 to vector<1x1024xi32>
    %broadcast_in_dim3A_94 = vector.broadcast %get3A_55 : i32 to vector<1x1024xi32>
    %broadcast_in_dim3A_95 = vector.broadcast %get3A_66 : i32 to vector<1x1024xi32>
    %broadcast_in_dim3A_96 = vector.broadcast %get3A_77 : i32 to vector<1x1024xi32>
    %concatenate3A_97 = tpu.concatenate %broadcast_in_dim3A, %broadcast_in_dim3A_90, %broadcast_in_dim3A_91, %broadcast_in_dim3A_92, %broadcast_in_dim3A_93, %broadcast_in_dim3A_94, %broadcast_in_dim3A_95, %broadcast_in_dim3A_96 in 0 : vector<1x1024xi32>, vector<1x1024xi32>, vector<1x1024xi32>, vector<1x1024xi32>, vector<1x1024xi32>, vector<1x1024xi32>, vector<1x1024xi32>, vector<1x1024xi32> -> vector<8x1024xi32>
    %eq3A = arith.cmpi eq, %iota3A, %concatenate3A_97 : vector<8x1024xi32>
    %convert_element_type3A = arith.extui %eq3A : vector<8x1024xi1> to vector<8x1024xi32>
    %convert_element_type3A_98 = arith.sitofp %convert_element_type3A : vector<8x1024xi32> to vector<8x1024xf32>
    %convert_element_type3A_99 = arith.sitofp %get3A_89 : vector<8x1024xi32> to vector<8x1024xf32>
    %mul3A = arith.mulf %convert_element_type3A_98, %convert_element_type3A_99 : vector<8x1024xf32>
    %reduce_sum3A = arith.constant dense<0.000000e+00> : vector<8xf32>
    %reduce_sum3A_100 = vector.multi_reduction <add>, %mul3A, %reduce_sum3A [1] : vector<8x1024xf32> to vector<8xf32>
    %broadcast_in_dim3A_101 = vector.shape_cast %reduce_sum3A_100 : vector<8xf32> to vector<8x1xf32>
    %convert_element_type3A_102 = arith.fptosi %broadcast_in_dim3A_101 : vector<8x1xf32> to vector<8x1xi32>
    %get3A_103 = arith.constant 0 : index
    %get3A_104 = arith.constant 0 : index
    %get3A_105 = vector.load %arg2[%get3A_103, %get3A_104] : memref<64x8192xf32, #tpu.memory_space<vmem>>, vector<64x8192xf32>
    %get3A_106 = arith.constant 0 : index
    %get3A_107 = arith.constant 0 : index
    %get3A_108 = vector.load %arg3[%get3A_106, %get3A_107] : memref<1x8192xf32, #tpu.memory_space<vmem>>, vector<1x8192xf32>
    %mul3A_109 = arith.mulf %concatenate3A, %concatenate3A : vector<8x64xf32>
    %reduce_sum3A_110 = arith.constant dense<0.000000e+00> : vector<8xf32>
    %reduce_sum3A_111 = vector.multi_reduction <add>, %mul3A_109, %reduce_sum3A_110 [1] : vector<8x64xf32> to vector<8xf32>
    %broadcast_in_dim3A_112 = vector.shape_cast %reduce_sum3A_111 : vector<8xf32> to vector<8x1xf32>
    %dot_general3A = arith.constant dense<0.000000e+00> : vector<8x8192xf32>
    %dot_general3A_113 = tpu.matmul %concatenate3A, %get3A_105, %dot_general3A {dimension_numbers = #tpu.dot_dimension_numbers<[1], [0], [0], [1], [0, 0, 1, 1], [], []>, transpose_lhs_hint = false} : vector<8x64xf32>, vector<64x8192xf32>, vector<8x8192xf32> -> vector<8x8192xf32>
    %add3A_114 = vector.broadcast %broadcast_in_dim3A_112 : vector<8x1xf32> to vector<8x8192xf32>
    %add3A_115 = vector.broadcast %get3A_108 : vector<1x8192xf32> to vector<8x8192xf32>
    %add3A_116 = arith.addf %add3A_114, %add3A_115 : vector<8x8192xf32>
    %sub3A = arith.subf %add3A_116, %dot_general3A_113 : vector<8x8192xf32>
    %neg3A = arith.constant 0.000000e+00 : f32
    %neg3A_117 = vector.broadcast %neg3A : f32 to vector<8x8192xf32>
    %neg3A_118 = arith.subf %neg3A_117, %sub3A : vector<8x8192xf32>
    %reduce_max3A = arith.constant dense<0xFF800000> : vector<8xf32>
    %reduce_max3A_119 = vector.multi_reduction <maximumf>, %neg3A_118, %reduce_max3A [1] : vector<8x8192xf32> to vector<8xf32>
    %broadcast_in_dim3A_120 = vector.shape_cast %reduce_max3A_119 : vector<8xf32> to vector<8x1xf32>
    %sub3A_121 = vector.broadcast %broadcast_in_dim3A_120 : vector<8x1xf32> to vector<8x8192xf32>
    %sub3A_122 = arith.subf %neg3A_118, %sub3A_121 : vector<8x8192xf32>
    %exp3A = math.exp %sub3A_122 : vector<8x8192xf32>
    %reduce_sum3A_123 = arith.constant dense<0.000000e+00> : vector<8xf32>
    %reduce_sum3A_124 = vector.multi_reduction <add>, %exp3A, %reduce_sum3A_123 [1] : vector<8x8192xf32> to vector<8xf32>
    %broadcast_in_dim3A_125 = vector.shape_cast %reduce_sum3A_124 : vector<8xf32> to vector<8x1xf32>
    %div3A = vector.broadcast %broadcast_in_dim3A_125 : vector<8x1xf32> to vector<8x8192xf32>
    %div3A_126 = arith.divf %exp3A, %div3A : vector<8x8192xf32>
    %iota3A_127 = tpu.iota {dimensions = array<i32: 1>} : vector<8x8192xi32>
    %reduce_max3A_128 = arith.constant dense<0xFF800000> : vector<8xf32>
    %reduce_max3A_129 = vector.multi_reduction <maximumf>, %div3A_126, %reduce_max3A_128 [1] : vector<8x8192xf32> to vector<8xf32>
    %broadcast_in_dim3A_130 = vector.shape_cast %reduce_max3A_129 : vector<8xf32> to vector<8x1xf32>
    %ge3A = vector.broadcast %broadcast_in_dim3A_130 : vector<8x1xf32> to vector<8x8192xf32>
    %ge3A_131 = arith.cmpf oge, %div3A_126, %ge3A : vector<8x8192xf32>
    %jit3A = arith.constant 1073741824 : i32
    %broadcast_in_dim3A_132 = vector.broadcast %jit3A : i32 to vector<8x8192xi32>
    %select_n3A = arith.select %ge3A_131, %iota3A_127, %broadcast_in_dim3A_132 : vector<8x8192xi1>, vector<8x8192xi32>
    %reduce_min3A = arith.constant dense<2147483647> : vector<8xi32>
    %reduce_min3A_133 = vector.multi_reduction <minsi>, %select_n3A, %reduce_min3A [1] : vector<8x8192xi32> to vector<8xi32>
    %broadcast_in_dim3A_134 = vector.shape_cast %reduce_min3A_133 : vector<8xi32> to vector<8x1xi32>
    %eq3A_135 = vector.broadcast %broadcast_in_dim3A_134 : vector<8x1xi32> to vector<8x8192xi32>
    %eq3A_136 = arith.cmpi eq, %iota3A_127, %eq3A_135 : vector<8x8192xi32>
    %jit3A_137 = arith.constant -1.000000e+00 : f32
    %broadcast_in_dim3A_138 = vector.broadcast %jit3A_137 : f32 to vector<8x8192xf32>
    %select_n3A_139 = arith.select %eq3A_136, %broadcast_in_dim3A_138, %div3A_126 : vector<8x8192xi1>, vector<8x8192xf32>
    %reduce_max3A_140 = arith.constant dense<0xFF800000> : vector<8xf32>
    %reduce_max3A_141 = vector.multi_reduction <maximumf>, %select_n3A_139, %reduce_max3A_140 [1] : vector<8x8192xf32> to vector<8xf32>
    %broadcast_in_dim3A_142 = vector.shape_cast %reduce_max3A_141 : vector<8xf32> to vector<8x1xf32>
    %ge3A_143 = vector.broadcast %broadcast_in_dim3A_142 : vector<8x1xf32> to vector<8x8192xf32>
    %ge3A_144 = arith.cmpf oge, %select_n3A_139, %ge3A_143 : vector<8x8192xf32>
    %jit3A_145 = arith.constant 1073741824 : i32
    %broadcast_in_dim3A_146 = vector.broadcast %jit3A_145 : i32 to vector<8x8192xi32>
    %select_n3A_147 = arith.select %ge3A_144, %iota3A_127, %broadcast_in_dim3A_146 : vector<8x8192xi1>, vector<8x8192xi32>
    %reduce_min3A_148 = arith.constant dense<2147483647> : vector<8xi32>
    %reduce_min3A_149 = vector.multi_reduction <minsi>, %select_n3A_147, %reduce_min3A_148 [1] : vector<8x8192xi32> to vector<8xi32>
    %broadcast_in_dim3A_150 = vector.shape_cast %reduce_min3A_149 : vector<8xi32> to vector<8x1xi32>
    %eq3A_151 = vector.broadcast %broadcast_in_dim3A_150 : vector<8x1xi32> to vector<8x8192xi32>
    %eq3A_152 = arith.cmpi eq, %iota3A_127, %eq3A_151 : vector<8x8192xi32>
    %jit3A_153 = arith.constant -1.000000e+00 : f32
    %broadcast_in_dim3A_154 = vector.broadcast %jit3A_153 : f32 to vector<8x8192xf32>
    %select_n3A_155 = arith.select %eq3A_152, %broadcast_in_dim3A_154, %select_n3A_139 : vector<8x8192xi1>, vector<8x8192xf32>
    %reduce_max3A_156 = arith.constant dense<0xFF800000> : vector<8xf32>
    %reduce_max3A_157 = vector.multi_reduction <maximumf>, %select_n3A_155, %reduce_max3A_156 [1] : vector<8x8192xf32> to vector<8xf32>
    %broadcast_in_dim3A_158 = vector.shape_cast %reduce_max3A_157 : vector<8xf32> to vector<8x1xf32>
    %ge3A_159 = vector.broadcast %broadcast_in_dim3A_158 : vector<8x1xf32> to vector<8x8192xf32>
    %ge3A_160 = arith.cmpf oge, %select_n3A_155, %ge3A_159 : vector<8x8192xf32>
    %jit3A_161 = arith.constant 1073741824 : i32
    %broadcast_in_dim3A_162 = vector.broadcast %jit3A_161 : i32 to vector<8x8192xi32>
    %select_n3A_163 = arith.select %ge3A_160, %iota3A_127, %broadcast_in_dim3A_162 : vector<8x8192xi1>, vector<8x8192xi32>
    %reduce_min3A_164 = arith.constant dense<2147483647> : vector<8xi32>
    %reduce_min3A_165 = vector.multi_reduction <minsi>, %select_n3A_163, %reduce_min3A_164 [1] : vector<8x8192xi32> to vector<8xi32>
    %broadcast_in_dim3A_166 = vector.shape_cast %reduce_min3A_165 : vector<8xi32> to vector<8x1xi32>
    %eq3A_167 = vector.broadcast %broadcast_in_dim3A_166 : vector<8x1xi32> to vector<8x8192xi32>
    %eq3A_168 = arith.cmpi eq, %iota3A_127, %eq3A_167 : vector<8x8192xi32>
    %jit3A_169 = arith.constant -1.000000e+00 : f32
    %broadcast_in_dim3A_170 = vector.broadcast %jit3A_169 : f32 to vector<8x8192xf32>
    %select_n3A_171 = arith.select %eq3A_168, %broadcast_in_dim3A_170, %select_n3A_155 : vector<8x8192xi1>, vector<8x8192xf32>
    %reduce_max3A_172 = arith.constant dense<0xFF800000> : vector<8xf32>
    %reduce_max3A_173 = vector.multi_reduction <maximumf>, %select_n3A_171, %reduce_max3A_172 [1] : vector<8x8192xf32> to vector<8xf32>
    %broadcast_in_dim3A_174 = vector.shape_cast %reduce_max3A_173 : vector<8xf32> to vector<8x1xf32>
    %ge3A_175 = vector.broadcast %broadcast_in_dim3A_174 : vector<8x1xf32> to vector<8x8192xf32>
    %ge3A_176 = arith.cmpf oge, %select_n3A_171, %ge3A_175 : vector<8x8192xf32>
    %jit3A_177 = arith.constant 1073741824 : i32
    %broadcast_in_dim3A_178 = vector.broadcast %jit3A_177 : i32 to vector<8x8192xi32>
    %select_n3A_179 = arith.select %ge3A_176, %iota3A_127, %broadcast_in_dim3A_178 : vector<8x8192xi1>, vector<8x8192xi32>
    %reduce_min3A_180 = arith.constant dense<2147483647> : vector<8xi32>
    %reduce_min3A_181 = vector.multi_reduction <minsi>, %select_n3A_179, %reduce_min3A_180 [1] : vector<8x8192xi32> to vector<8xi32>
    %broadcast_in_dim3A_182 = vector.shape_cast %reduce_min3A_181 : vector<8xi32> to vector<8x1xi32>
    %eq3A_183 = vector.broadcast %broadcast_in_dim3A_182 : vector<8x1xi32> to vector<8x8192xi32>
    %eq3A_184 = arith.cmpi eq, %iota3A_127, %eq3A_183 : vector<8x8192xi32>
    %jit3A_185 = arith.constant -1.000000e+00 : f32
    %broadcast_in_dim3A_186 = vector.broadcast %jit3A_185 : f32 to vector<8x8192xf32>
    %select_n3A_187 = arith.select %eq3A_184, %broadcast_in_dim3A_186, %select_n3A_171 : vector<8x8192xi1>, vector<8x8192xf32>
    %reduce_max3A_188 = arith.constant dense<0xFF800000> : vector<8xf32>
    %reduce_max3A_189 = vector.multi_reduction <maximumf>, %select_n3A_187, %reduce_max3A_188 [1] : vector<8x8192xf32> to vector<8xf32>
    %broadcast_in_dim3A_190 = vector.shape_cast %reduce_max3A_189 : vector<8xf32> to vector<8x1xf32>
    %ge3A_191 = vector.broadcast %broadcast_in_dim3A_190 : vector<8x1xf32> to vector<8x8192xf32>
    %ge3A_192 = arith.cmpf oge, %select_n3A_187, %ge3A_191 : vector<8x8192xf32>
    %jit3A_193 = arith.constant 1073741824 : i32
    %broadcast_in_dim3A_194 = vector.broadcast %jit3A_193 : i32 to vector<8x8192xi32>
    %select_n3A_195 = arith.select %ge3A_192, %iota3A_127, %broadcast_in_dim3A_194 : vector<8x8192xi1>, vector<8x8192xi32>
    %reduce_min3A_196 = arith.constant dense<2147483647> : vector<8xi32>
    %reduce_min3A_197 = vector.multi_reduction <minsi>, %select_n3A_195, %reduce_min3A_196 [1] : vector<8x8192xi32> to vector<8xi32>
    %broadcast_in_dim3A_198 = vector.shape_cast %reduce_min3A_197 : vector<8xi32> to vector<8x1xi32>
    %add3A_199 = arith.constant 9.99999996E-13 : f32
    %add3A_200 = vector.broadcast %add3A_199 : f32 to vector<8x1xf32>
    %add3A_201 = arith.addf %broadcast_in_dim3A_130, %add3A_200 : vector<8x1xf32>
    %log3A = math.log %add3A_201 : vector<8x1xf32>
    %slice3A = vector.extract_strided_slice %concatenate3A_86 {offsets = [0, 0], sizes = [8, 1], strides = [1, 1]} : vector<8x8xf32> to vector<8x1xf32>
    %add3A_202 = arith.addf %log3A, %slice3A : vector<8x1xf32>
    %broadcast_in_dim3A_203 = arith.constant 0 : i32
    %broadcast_in_dim3A_204 = vector.broadcast %broadcast_in_dim3A_203 : i32 to vector<8x1xi32>
    %add3A_205 = arith.constant 9.99999996E-13 : f32
    %add3A_206 = vector.broadcast %add3A_205 : f32 to vector<8x1xf32>
    %add3A_207 = arith.addf %broadcast_in_dim3A_142, %add3A_206 : vector<8x1xf32>
    %log3A_208 = math.log %add3A_207 : vector<8x1xf32>
    %slice3A_209 = vector.extract_strided_slice %concatenate3A_86 {offsets = [0, 1], sizes = [8, 1], strides = [1, 1]} : vector<8x8xf32> to vector<8x1xf32>
    %add3A_210 = arith.addf %log3A_208, %slice3A_209 : vector<8x1xf32>
    %gt3A = arith.cmpf ogt, %add3A_210, %add3A_202 : vector<8x1xf32>
    %select_n3A_211 = arith.select %gt3A, %add3A_210, %add3A_202 : vector<8x1xi1>, vector<8x1xf32>
    %jit3A_212 = arith.constant 1 : i32
    %broadcast_in_dim3A_213 = vector.broadcast %jit3A_212 : i32 to vector<8x1xi32>
    %select_n3A_214 = arith.select %gt3A, %broadcast_in_dim3A_213, %broadcast_in_dim3A_204 : vector<8x1xi1>, vector<8x1xi32>
    %add3A_215 = arith.constant 9.99999996E-13 : f32
    %add3A_216 = vector.broadcast %add3A_215 : f32 to vector<8x1xf32>
    %add3A_217 = arith.addf %broadcast_in_dim3A_158, %add3A_216 : vector<8x1xf32>
    %log3A_218 = math.log %add3A_217 : vector<8x1xf32>
    %slice3A_219 = vector.extract_strided_slice %concatenate3A_86 {offsets = [0, 2], sizes = [8, 1], strides = [1, 1]} : vector<8x8xf32> to vector<8x1xf32>
    %add3A_220 = arith.addf %log3A_218, %slice3A_219 : vector<8x1xf32>
    %gt3A_221 = arith.cmpf ogt, %add3A_220, %select_n3A_211 : vector<8x1xf32>
    %select_n3A_222 = arith.select %gt3A_221, %add3A_220, %select_n3A_211 : vector<8x1xi1>, vector<8x1xf32>
    %jit3A_223 = arith.constant 2 : i32
    %broadcast_in_dim3A_224 = vector.broadcast %jit3A_223 : i32 to vector<8x1xi32>
    %select_n3A_225 = arith.select %gt3A_221, %broadcast_in_dim3A_224, %select_n3A_214 : vector<8x1xi1>, vector<8x1xi32>
    %add3A_226 = arith.constant 9.99999996E-13 : f32
    %add3A_227 = vector.broadcast %add3A_226 : f32 to vector<8x1xf32>
    %add3A_228 = arith.addf %broadcast_in_dim3A_174, %add3A_227 : vector<8x1xf32>
    %log3A_229 = math.log %add3A_228 : vector<8x1xf32>
    %slice3A_230 = vector.extract_strided_slice %concatenate3A_86 {offsets = [0, 3], sizes = [8, 1], strides = [1, 1]} : vector<8x8xf32> to vector<8x1xf32>
    %add3A_231 = arith.addf %log3A_229, %slice3A_230 : vector<8x1xf32>
    %gt3A_232 = arith.cmpf ogt, %add3A_231, %select_n3A_222 : vector<8x1xf32>
    %select_n3A_233 = arith.select %gt3A_232, %add3A_231, %select_n3A_222 : vector<8x1xi1>, vector<8x1xf32>
    %jit3A_234 = arith.constant 3 : i32
    %broadcast_in_dim3A_235 = vector.broadcast %jit3A_234 : i32 to vector<8x1xi32>
    %select_n3A_236 = arith.select %gt3A_232, %broadcast_in_dim3A_235, %select_n3A_225 : vector<8x1xi1>, vector<8x1xi32>
    %add3A_237 = arith.constant 9.99999996E-13 : f32
    %add3A_238 = vector.broadcast %add3A_237 : f32 to vector<8x1xf32>
    %add3A_239 = arith.addf %broadcast_in_dim3A_190, %add3A_238 : vector<8x1xf32>
    %log3A_240 = math.log %add3A_239 : vector<8x1xf32>
    %slice3A_241 = vector.extract_strided_slice %concatenate3A_86 {offsets = [0, 4], sizes = [8, 1], strides = [1, 1]} : vector<8x8xf32> to vector<8x1xf32>
    %add3A_242 = arith.addf %log3A_240, %slice3A_241 : vector<8x1xf32>
    %gt3A_243 = arith.cmpf ogt, %add3A_242, %select_n3A_233 : vector<8x1xf32>
    %jit3A_244 = arith.constant 4 : i32
    %broadcast_in_dim3A_245 = vector.broadcast %jit3A_244 : i32 to vector<8x1xi32>
    %select_n3A_246 = arith.select %gt3A_243, %broadcast_in_dim3A_245, %select_n3A_236 : vector<8x1xi1>, vector<8x1xi32>
    %broadcast_in_dim3A_247 = arith.constant 0 : i32
    %broadcast_in_dim3A_248 = vector.broadcast %broadcast_in_dim3A_247 : i32 to vector<8x1xi32>
    %eq3A_249 = arith.constant 0 : i32
    %eq3A_250 = vector.broadcast %eq3A_249 : i32 to vector<8x1xi32>
    %eq3A_251 = arith.cmpi eq, %select_n3A_246, %eq3A_250 : vector<8x1xi32>
    %select_n3A_252 = arith.select %eq3A_251, %broadcast_in_dim3A_134, %broadcast_in_dim3A_248 : vector<8x1xi1>, vector<8x1xi32>
    %eq3A_253 = arith.constant 1 : i32
    %eq3A_254 = vector.broadcast %eq3A_253 : i32 to vector<8x1xi32>
    %eq3A_255 = arith.cmpi eq, %select_n3A_246, %eq3A_254 : vector<8x1xi32>
    %select_n3A_256 = arith.select %eq3A_255, %broadcast_in_dim3A_150, %select_n3A_252 : vector<8x1xi1>, vector<8x1xi32>
    %eq3A_257 = arith.constant 2 : i32
    %eq3A_258 = vector.broadcast %eq3A_257 : i32 to vector<8x1xi32>
    %eq3A_259 = arith.cmpi eq, %select_n3A_246, %eq3A_258 : vector<8x1xi32>
    %select_n3A_260 = arith.select %eq3A_259, %broadcast_in_dim3A_166, %select_n3A_256 : vector<8x1xi1>, vector<8x1xi32>
    %eq3A_261 = arith.constant 3 : i32
    %eq3A_262 = vector.broadcast %eq3A_261 : i32 to vector<8x1xi32>
    %eq3A_263 = arith.cmpi eq, %select_n3A_246, %eq3A_262 : vector<8x1xi32>
    %select_n3A_264 = arith.select %eq3A_263, %broadcast_in_dim3A_182, %select_n3A_260 : vector<8x1xi1>, vector<8x1xi32>
    %eq3A_265 = arith.constant 4 : i32
    %eq3A_266 = vector.broadcast %eq3A_265 : i32 to vector<8x1xi32>
    %eq3A_267 = arith.cmpi eq, %select_n3A_246, %eq3A_266 : vector<8x1xi32>
    %select_n3A_268 = arith.select %eq3A_267, %broadcast_in_dim3A_198, %select_n3A_264 : vector<8x1xi1>, vector<8x1xi32>
    %eq3A_269 = vector.broadcast %convert_element_type3A_102 : vector<8x1xi32> to vector<8x1024xi32>
    %eq3A_270 = arith.cmpi eq, %get3A_89, %eq3A_269 : vector<8x1024xi32>
    %broadcast_in_dim3A_271 = vector.shape_cast %select_n3A_268 : vector<8x1xi32> to vector<8x1xi32>
    %broadcast_in_dim3A_272 = vector.broadcast %broadcast_in_dim3A_271 : vector<8x1xi32> to vector<8x1024xi32>
    %select_n3A_273 = arith.select %eq3A_270, %broadcast_in_dim3A_272, %get3A_89 : vector<8x1024xi1>, vector<8x1024xi32>
    %swap3A = arith.constant 0 : index
    %swap3A_274 = arith.constant 0 : index
    %swap3A_275 = vector.load %arg6[%swap3A, %swap3A_274] : memref<8x1024xi32, #tpu.memory_space<vmem>>, vector<8x1024xi32>
    tpu.vector_store %arg6[%swap3A, %swap3A_274], %select_n3A_273 {strides = array<i32>} : memref<8x1024xi32, #tpu.memory_space<vmem>>, vector<8x1024xi32>,
    return
  }
}

module attributes {stable_mosaic.version = 14 : i64} {
  func.func @_assemble_body(%arg0: i32, %arg1: memref<512x128xf32, #tpu.memory_space<vmem>>, %arg2: memref<512x128xf32, #tpu.memory_space<vmem>>, %arg3: memref<512x64xf32, #tpu.memory_space<vmem>>, %arg4: memref<512x64xf32, #tpu.memory_space<vmem>>, %arg5: memref<128x2xf32, #tpu.memory_space<vmem>>, %arg6: memref<1x64xf32, #tpu.memory_space<vmem>>, %arg7: memref<1x2xf32, #tpu.memory_space<vmem>>, %arg8: memref<1x2xf32, #tpu.memory_space<vmem>>, %arg9: memref<1x2xf32, #tpu.memory_space<vmem>>, %arg10: memref<1x64xf32, #tpu.memory_space<vmem>>, %arg11: memref<1x64xf32, #tpu.memory_space<vmem>>, %arg12: memref<512x64xf32, #tpu.memory_space<vmem>>, %arg13: memref<512x64xf32, #tpu.memory_space<vmem>>) attributes {dimension_semantics = [#tpu.dimension_semantics<arbitrary>], iteration_bounds = array<i64: 16>, scalar_prefetch = 0 : i64, scratch_operands = 0 : i64, tpu.core_type = #tpu.core_type<tc>, window_params = [{transform_indices = @transform_0, window_bounds = array<i64: 512, 128>}, {transform_indices = @transform_1, window_bounds = array<i64: 512, 128>}, {transform_indices = @transform_2, window_bounds = array<i64: 512, 64>}, {transform_indices = @transform_3, window_bounds = array<i64: 512, 64>}, {pipeline_mode = #tpu.pipeline_mode<synchronous>, transform_indices = @transform_4, window_bounds = array<i64: 128, 2>}, {pipeline_mode = #tpu.pipeline_mode<synchronous>, transform_indices = @transform_5, window_bounds = array<i64: 1, 64>}, {pipeline_mode = #tpu.pipeline_mode<synchronous>, transform_indices = @transform_6, window_bounds = array<i64: 1, 2>}, {pipeline_mode = #tpu.pipeline_mode<synchronous>, transform_indices = @transform_7, window_bounds = array<i64: 1, 2>}, {pipeline_mode = #tpu.pipeline_mode<synchronous>, transform_indices = @transform_8, window_bounds = array<i64: 1, 2>}, {pipeline_mode = #tpu.pipeline_mode<synchronous>, transform_indices = @transform_9, window_bounds = array<i64: 1, 64>}, {pipeline_mode = #tpu.pipeline_mode<synchronous>, transform_indices = @transform_10, window_bounds = array<i64: 1, 64>}, {transform_indices = @transform_11, window_bounds = array<i64: 512, 64>}, {transform_indices = @transform_12, window_bounds = array<i64: 512, 64>}]} {
    %get3A = arith.constant 0 : index
    %get3A_0 = arith.constant 0 : index
    %get3A_1 = vector.load %arg3[%get3A, %get3A_0] : memref<512x64xf32, #tpu.memory_space<vmem>>, vector<512x64xf32>
    %get3A_2 = arith.constant 0 : index
    %get3A_3 = arith.constant 64 : index
    %get3A_4 = vector.load %arg1[%get3A_2, %get3A_3] : memref<512x128xf32, #tpu.memory_space<vmem>>, vector<512x64xf32>
    %get3A_5 = arith.constant 0 : index
    %get3A_6 = arith.constant 0 : index
    %get3A_7 = vector.load %arg6[%get3A_5, %get3A_6] : memref<1x64xf32, #tpu.memory_space<vmem>>, vector<1x64xf32>
    %add3A = vector.broadcast %get3A_7 : vector<1x64xf32> to vector<512x64xf32>
    %add3A_8 = arith.addf %get3A_4, %add3A : vector<512x64xf32>
    %get3A_9 = arith.constant 0 : index
    %get3A_10 = arith.constant 0 : index
    %get3A_11 = vector.load %arg2[%get3A_9, %get3A_10] : memref<512x128xf32, #tpu.memory_space<vmem>>, vector<512x64xf32>
    %get3A_12 = arith.constant 0 : index
    %get3A_13 = arith.constant 0 : index
    %get3A_14 = vector.load %arg4[%get3A_12, %get3A_13] : memref<512x64xf32, #tpu.memory_space<vmem>>, vector<512x64xf32>
    %concatenate3A = tpu.concatenate %add3A_8, %get3A_1 in 1 : vector<512x64xf32>, vector<512x64xf32> -> vector<512x128xf32>
    %get3A_15 = arith.constant 0 : index
    %get3A_16 = arith.constant 0 : index
    %get3A_17 = vector.load %arg5[%get3A_15, %get3A_16] : memref<128x2xf32, #tpu.memory_space<vmem>>, vector<128x2xf32>
    %dot_general3A = arith.constant dense<0.000000e+00> : vector<512x2xf32>
    %dot_general3A_18 = tpu.matmul %concatenate3A, %get3A_17, %dot_general3A {dimension_numbers = #tpu.dot_dimension_numbers<[1], [0], [0], [1], [0, 0, 1, 1], [], []>, transpose_lhs_hint = false} : vector<512x128xf32>, vector<128x2xf32>, vector<512x2xf32> -> vector<512x2xf32>
    %get3A_19 = arith.constant 0 : index
    %get3A_20 = arith.constant 0 : index
    %get3A_21 = vector.load %arg7[%get3A_19, %get3A_20] : memref<1x2xf32, #tpu.memory_space<vmem>>, vector<1x2xf32>
    %add3A_22 = vector.broadcast %get3A_21 : vector<1x2xf32> to vector<512x2xf32>
    %add3A_23 = arith.addf %dot_general3A_18, %add3A_22 : vector<512x2xf32>
    %slice3A = vector.extract_strided_slice %add3A_23 {offsets = [0, 0], sizes = [512, 1], strides = [1, 1]} : vector<512x2xf32> to vector<512x1xf32>
    %slice3A_24 = vector.extract_strided_slice %add3A_23 {offsets = [0, 1], sizes = [512, 1], strides = [1, 1]} : vector<512x2xf32> to vector<512x1xf32>
    %add3A_25 = arith.addf %slice3A, %slice3A_24 : vector<512x1xf32>
    %mul3A = arith.constant 5.000000e-01 : f32
    %mul3A_26 = vector.broadcast %mul3A : f32 to vector<512x1xf32>
    %mul3A_27 = arith.mulf %add3A_25, %mul3A_26 : vector<512x1xf32>
    %sub3A = arith.subf %slice3A, %mul3A_27 : vector<512x1xf32>
    %sub3A_28 = arith.subf %slice3A_24, %mul3A_27 : vector<512x1xf32>
    %mul3A_29 = arith.mulf %sub3A, %sub3A : vector<512x1xf32>
    %mul3A_30 = arith.mulf %sub3A_28, %sub3A_28 : vector<512x1xf32>
    %add3A_31 = arith.addf %mul3A_29, %mul3A_30 : vector<512x1xf32>
    %mul3A_32 = arith.constant 5.000000e-01 : f32
    %mul3A_33 = vector.broadcast %mul3A_32 : f32 to vector<512x1xf32>
    %mul3A_34 = arith.mulf %add3A_31, %mul3A_33 : vector<512x1xf32>
    %add3A_35 = arith.constant 9.99999974E-6 : f32
    %add3A_36 = vector.broadcast %add3A_35 : f32 to vector<512x1xf32>
    %add3A_37 = arith.addf %mul3A_34, %add3A_36 : vector<512x1xf32>
    %sqrt3A = math.sqrt %add3A_37 : vector<512x1xf32>
    %div3A = arith.divf %sub3A, %sqrt3A : vector<512x1xf32>
    %get3A_38 = arith.constant 0 : index
    %get3A_39 = arith.constant 0 : index
    %get3A_40 = vector.load %arg8[%get3A_38, %get3A_39] : memref<1x2xf32, #tpu.memory_space<vmem>>, vector<1x1xf32>
    %mul3A_41 = vector.broadcast %get3A_40 : vector<1x1xf32> to vector<512x1xf32>
    %mul3A_42 = arith.mulf %div3A, %mul3A_41 : vector<512x1xf32>
    %get3A_43 = arith.constant 0 : index
    %get3A_44 = arith.constant 0 : index
    %get3A_45 = vector.load %arg9[%get3A_43, %get3A_44] : memref<1x2xf32, #tpu.memory_space<vmem>>, vector<1x1xf32>
    %add3A_46 = vector.broadcast %get3A_45 : vector<1x1xf32> to vector<512x1xf32>
    %add3A_47 = arith.addf %mul3A_42, %add3A_46 : vector<512x1xf32>
    %max3A = arith.constant 0.000000e+00 : f32
    %max3A_48 = vector.broadcast %max3A : f32 to vector<512x1xf32>
    %max3A_49 = arith.maximumf %add3A_47, %max3A_48 : vector<512x1xf32>
    %div3A_50 = arith.divf %sub3A_28, %sqrt3A : vector<512x1xf32>
    %get3A_51 = arith.constant 0 : index
    %get3A_52 = arith.constant 1 : index
    %get3A_53 = vector.load %arg8[%get3A_51, %get3A_52] : memref<1x2xf32, #tpu.memory_space<vmem>>, vector<1x1xf32>
    %mul3A_54 = vector.broadcast %get3A_53 : vector<1x1xf32> to vector<512x1xf32>
    %mul3A_55 = arith.mulf %div3A_50, %mul3A_54 : vector<512x1xf32>
    %get3A_56 = arith.constant 0 : index
    %get3A_57 = arith.constant 1 : index
    %get3A_58 = vector.load %arg9[%get3A_56, %get3A_57] : memref<1x2xf32, #tpu.memory_space<vmem>>, vector<1x1xf32>
    %add3A_59 = vector.broadcast %get3A_58 : vector<1x1xf32> to vector<512x1xf32>
    %add3A_60 = arith.addf %mul3A_55, %add3A_59 : vector<512x1xf32>
    %max3A_61 = arith.constant 0.000000e+00 : f32
    %max3A_62 = vector.broadcast %max3A_61 : f32 to vector<512x1xf32>
    %max3A_63 = arith.maximumf %add3A_60, %max3A_62 : vector<512x1xf32>
    %max3A_64 = arith.maximumf %max3A_49, %max3A_63 : vector<512x1xf32>
    %sub3A_65 = arith.subf %max3A_49, %max3A_64 : vector<512x1xf32>
    %exp3A = math.exp %sub3A_65 : vector<512x1xf32>
    %sub3A_66 = arith.subf %max3A_63, %max3A_64 : vector<512x1xf32>
    %exp3A_67 = math.exp %sub3A_66 : vector<512x1xf32>
    %add3A_68 = arith.addf %exp3A, %exp3A_67 : vector<512x1xf32>
    %div3A_69 = arith.divf %exp3A, %add3A_68 : vector<512x1xf32>
    %div3A_70 = arith.divf %exp3A_67, %add3A_68 : vector<512x1xf32>
    %mul3A_71 = vector.broadcast %div3A_69 : vector<512x1xf32> to vector<512x64xf32>
    %mul3A_72 = arith.mulf %add3A_8, %mul3A_71 : vector<512x64xf32>
    %mul3A_73 = vector.broadcast %div3A_70 : vector<512x1xf32> to vector<512x64xf32>
    %mul3A_74 = arith.mulf %get3A_1, %mul3A_73 : vector<512x64xf32>
    %add3A_75 = arith.addf %mul3A_72, %mul3A_74 : vector<512x64xf32>
    %add3A_76 = arith.addf %add3A_75, %get3A_14 : vector<512x64xf32>
    %reduce_sum3A = arith.constant dense<0.000000e+00> : vector<512xf32>
    %reduce_sum3A_77 = vector.multi_reduction <add>, %add3A_76, %reduce_sum3A [1] : vector<512x64xf32> to vector<512xf32>
    %broadcast_in_dim3A = vector.shape_cast %reduce_sum3A_77 : vector<512xf32> to vector<512x1xf32>
    %div3A_78 = arith.constant 6.400000e+01 : f32
    %div3A_79 = vector.broadcast %div3A_78 : f32 to vector<512x1xf32>
    %div3A_80 = arith.divf %broadcast_in_dim3A, %div3A_79 : vector<512x1xf32>
    %sub3A_81 = vector.broadcast %div3A_80 : vector<512x1xf32> to vector<512x64xf32>
    %sub3A_82 = arith.subf %add3A_76, %sub3A_81 : vector<512x64xf32>
    %mul3A_83 = arith.mulf %sub3A_82, %sub3A_82 : vector<512x64xf32>
    %reduce_sum3A_84 = arith.constant dense<0.000000e+00> : vector<512xf32>
    %reduce_sum3A_85 = vector.multi_reduction <add>, %mul3A_83, %reduce_sum3A_84 [1] : vector<512x64xf32> to vector<512xf32>
    %broadcast_in_dim3A_86 = vector.shape_cast %reduce_sum3A_85 : vector<512xf32> to vector<512x1xf32>
    %div3A_87 = arith.constant 6.400000e+01 : f32
    %div3A_88 = vector.broadcast %div3A_87 : f32 to vector<512x1xf32>
    %div3A_89 = arith.divf %broadcast_in_dim3A_86, %div3A_88 : vector<512x1xf32>
    %add3A_90 = arith.constant 9.99999974E-6 : f32
    %add3A_91 = vector.broadcast %add3A_90 : f32 to vector<512x1xf32>
    %add3A_92 = arith.addf %div3A_89, %add3A_91 : vector<512x1xf32>
    %sqrt3A_93 = math.sqrt %add3A_92 : vector<512x1xf32>
    %div3A_94 = vector.broadcast %sqrt3A_93 : vector<512x1xf32> to vector<512x64xf32>
    %div3A_95 = arith.divf %sub3A_82, %div3A_94 : vector<512x64xf32>
    %get3A_96 = arith.constant 0 : index
    %get3A_97 = arith.constant 0 : index
    %get3A_98 = vector.load %arg10[%get3A_96, %get3A_97] : memref<1x64xf32, #tpu.memory_space<vmem>>, vector<1x64xf32>
    %mul3A_99 = vector.broadcast %get3A_98 : vector<1x64xf32> to vector<512x64xf32>
    %mul3A_100 = arith.mulf %div3A_95, %mul3A_99 : vector<512x64xf32>
    %get3A_101 = arith.constant 0 : index
    %get3A_102 = arith.constant 0 : index
    %get3A_103 = vector.load %arg11[%get3A_101, %get3A_102] : memref<1x64xf32, #tpu.memory_space<vmem>>, vector<1x64xf32>
    %add3A_104 = vector.broadcast %get3A_103 : vector<1x64xf32> to vector<512x64xf32>
    %add3A_105 = arith.addf %mul3A_100, %add3A_104 : vector<512x64xf32>
    %swap3A = arith.constant 0 : index
    %swap3A_106 = arith.constant 0 : index
    %swap3A_107 = vector.load %arg12[%swap3A, %swap3A_106] : memref<512x64xf32, #tpu.memory_space<vmem>>, vector<512x64xf32>
    tpu.vector_store %arg12[%swap3A, %swap3A_106], %add3A_105 {strides = array<i32>} : memref<512x64xf32, #tpu.memory_space<vmem>>, vector<512x64xf32>,
    %mul3A_108 = vector.broadcast %div3A_69 : vector<512x1xf32> to vector<512x64xf32>
    %mul3A_109 = arith.mulf %get3A_11, %mul3A_108 : vector<512x64xf32>
    %mul3A_110 = vector.broadcast %div3A_70 : vector<512x1xf32> to vector<512x64xf32>
    %mul3A_111 = arith.mulf %get3A_1, %mul3A_110 : vector<512x64xf32>
    %add3A_112 = arith.addf %mul3A_109, %mul3A_111 : vector<512x64xf32>
    %add3A_113 = arith.addf %add3A_112, %get3A_14 : vector<512x64xf32>
    %reduce_sum3A_114 = arith.constant dense<0.000000e+00> : vector<512xf32>
    %reduce_sum3A_115 = vector.multi_reduction <add>, %add3A_113, %reduce_sum3A_114 [1] : vector<512x64xf32> to vector<512xf32>
    %broadcast_in_dim3A_116 = vector.shape_cast %reduce_sum3A_115 : vector<512xf32> to vector<512x1xf32>
    %div3A_117 = arith.constant 6.400000e+01 : f32
    %div3A_118 = vector.broadcast %div3A_117 : f32 to vector<512x1xf32>
    %div3A_119 = arith.divf %broadcast_in_dim3A_116, %div3A_118 : vector<512x1xf32>
    %sub3A_120 = vector.broadcast %div3A_119 : vector<512x1xf32> to vector<512x64xf32>
    %sub3A_121 = arith.subf %add3A_113, %sub3A_120 : vector<512x64xf32>
    %mul3A_122 = arith.mulf %sub3A_121, %sub3A_121 : vector<512x64xf32>
    %reduce_sum3A_123 = arith.constant dense<0.000000e+00> : vector<512xf32>
    %reduce_sum3A_124 = vector.multi_reduction <add>, %mul3A_122, %reduce_sum3A_123 [1] : vector<512x64xf32> to vector<512xf32>
    %broadcast_in_dim3A_125 = vector.shape_cast %reduce_sum3A_124 : vector<512xf32> to vector<512x1xf32>
    %div3A_126 = arith.constant 6.400000e+01 : f32
    %div3A_127 = vector.broadcast %div3A_126 : f32 to vector<512x1xf32>
    %div3A_128 = arith.divf %broadcast_in_dim3A_125, %div3A_127 : vector<512x1xf32>
    %add3A_129 = arith.constant 9.99999974E-6 : f32
    %add3A_130 = vector.broadcast %add3A_129 : f32 to vector<512x1xf32>
    %add3A_131 = arith.addf %div3A_128, %add3A_130 : vector<512x1xf32>
    %sqrt3A_132 = math.sqrt %add3A_131 : vector<512x1xf32>
    %div3A_133 = vector.broadcast %sqrt3A_132 : vector<512x1xf32> to vector<512x64xf32>
    %div3A_134 = arith.divf %sub3A_121, %div3A_133 : vector<512x64xf32>
    %get3A_135 = arith.constant 0 : index
    %get3A_136 = arith.constant 0 : index
    %get3A_137 = vector.load %arg10[%get3A_135, %get3A_136] : memref<1x64xf32, #tpu.memory_space<vmem>>, vector<1x64xf32>
    %mul3A_138 = vector.broadcast %get3A_137 : vector<1x64xf32> to vector<512x64xf32>
    %mul3A_139 = arith.mulf %div3A_134, %mul3A_138 : vector<512x64xf32>
    %get3A_140 = arith.constant 0 : index
    %get3A_141 = arith.constant 0 : index
    %get3A_142 = vector.load %arg11[%get3A_140, %get3A_141] : memref<1x64xf32, #tpu.memory_space<vmem>>, vector<1x64xf32>
    %add3A_143 = vector.broadcast %get3A_142 : vector<1x64xf32> to vector<512x64xf32>
    %add3A_144 = arith.addf %mul3A_139, %add3A_143 : vector<512x64xf32>
    %swap3A_145 = arith.constant 0 : index
    %swap3A_146 = arith.constant 0 : index
    %swap3A_147 = vector.load %arg13[%swap3A_145, %swap3A_146] : memref<512x64xf32, #tpu.memory_space<vmem>>, vector<512x64xf32>
    tpu.vector_store %arg13[%swap3A_145, %swap3A_146], %add3A_144 {strides = array<i32>} : memref<512x64xf32, #tpu.memory_space<vmem>>, vector<512x64xf32>,
    return
  }
  func.func @transform_0(%arg0: i32) -> (i32, i32) {
    %c0_i32 = arith.constant 0 : i32
    %c0_i32_0 = arith.constant 0 : i32
    return %arg0, %c0_i32 : i32, i32
  }
  func.func @transform_1(%arg0: i32) -> (i32, i32) {
    %c0_i32 = arith.constant 0 : i32
    %c0_i32_0 = arith.constant 0 : i32
    return %arg0, %c0_i32 : i32, i32
  }
  func.func @transform_2(%arg0: i32) -> (i32, i32) {
    %c0_i32 = arith.constant 0 : i32
    %c0_i32_0 = arith.constant 0 : i32
    return %arg0, %c0_i32 : i32, i32
  }
  func.func @transform_3(%arg0: i32) -> (i32, i32) {
    %c0_i32 = arith.constant 0 : i32
    %c0_i32_0 = arith.constant 0 : i32
    return %arg0, %c0_i32 : i32, i32
  }
  func.func @transform_4(%arg0: i32) -> (i32, i32) {
    %c0_i32 = arith.constant 0 : i32
    %c0_i32_0 = arith.constant 0 : i32
    %c0_i32_1 = arith.constant 0 : i32
    return %c0_i32, %c0_i32_0 : i32, i32
  }
  func.func @transform_5(%arg0: i32) -> (i32, i32) {
    %c0_i32 = arith.constant 0 : i32
    %c0_i32_0 = arith.constant 0 : i32
    %c0_i32_1 = arith.constant 0 : i32
    return %c0_i32, %c0_i32_0 : i32, i32
  }
  func.func @transform_6(%arg0: i32) -> (i32, i32) {
    %c0_i32 = arith.constant 0 : i32
    %c0_i32_0 = arith.constant 0 : i32
    %c0_i32_1 = arith.constant 0 : i32
    return %c0_i32, %c0_i32_0 : i32, i32
  }
  func.func @transform_7(%arg0: i32) -> (i32, i32) {
    %c0_i32 = arith.constant 0 : i32
    %c0_i32_0 = arith.constant 0 : i32
    %c0_i32_1 = arith.constant 0 : i32
    return %c0_i32, %c0_i32_0 : i32, i32
  }
  func.func @transform_8(%arg0: i32) -> (i32, i32) {
    %c0_i32 = arith.constant 0 : i32
    %c0_i32_0 = arith.constant 0 : i32
    %c0_i32_1 = arith.constant 0 : i32
    return %c0_i32, %c0_i32_0 : i32, i32
  }
  func.func @transform_9(%arg0: i32) -> (i32, i32) {
    %c0_i32 = arith.constant 0 : i32
    %c0_i32_0 = arith.constant 0 : i32
    %c0_i32_1 = arith.constant 0 : i32
    return %c0_i32, %c0_i32_0 : i32, i32
  }
  func.func @transform_10(%arg0: i32) -> (i32, i32) {
    %c0_i32 = arith.constant 0 : i32
    %c0_i32_0 = arith.constant 0 : i32
    %c0_i32_1 = arith.constant 0 : i32
    return %c0_i32, %c0_i32_0 : i32, i32
  }
  func.func @transform_11(%arg0: i32) -> (i32, i32) {
    %c0_i32 = arith.constant 0 : i32
    %c0_i32_0 = arith.constant 0 : i32
    return %arg0, %c0_i32 : i32, i32
  }
  func.func @transform_12(%arg0: i32) -> (i32, i32) {
    %c0_i32 = arith.constant 0 : i32
    %c0_i32_0 = arith.constant 0 : i32
    return %arg0, %c0_i32 : i32, i32
  }
}

</mosaic_0001>

<sc_bundles>
// kernel: kernel.7.cloned.1.call-start
scs
__scs_entry_jumppad:
0x0: {  	(pc) =	sbr.rel $0x88, $3  }
0x1: {  	(tag) =	ssettag $0x0;
	lr =	simm.s32 $0x1  }
0x2: {  	[smem:$0x3F92] =	sst lr;
	_ =	strace $0xD0000000  }
0x3: {  	_ = 	snop  }
0x4: {  	_ = 	snop  }
0x5: {  	_ = 	snop  }
0x6: {  	_ = 	snop  }
0x7: {  	_ = 	snop  }
__scs_overlays_trampoline_lowered:
0x8: {  	[smem:$0x3FA1] =	sst s0  }
0x9: {  	[smem:$0x3FA2] =	sst s1  }
0xa: {  	[smem:$0x3FA3] =	sst s2  }
0xb: {  	[smem:$0x3FA4] =	sst s3  }
0xc: {  	[smem:$0x3FA5] =	sst s4  }
0xd: {  	[smem:$0x3FA6] =	sst s5  }
0xe: {  	[smem:$0x3FA7] =	sst s6  }
0xf: {  	[smem:$0x3FA8] =	sst s7  }
0x10: {  	[smem:$0x3FA9] =	sst s8  }
0x11: {  	[smem:$0x3FAA] =	sst s9;
	s0 =	simm.s32 @!p0 $0x0  }
0x12: {  	s1 =	sld [smem:$0x3F90];
	s0 =	simm.s32 @p0 $0x1  }
0x13: {  	[smem:$0x3FAB] =	sst s0;
	s0 =	simm.s32 @!p1 $0x0  }
0x14: {  	s2 =	sld [smem:$0x3F8F];
	s0 =	simm.s32 @p1 $0x1  }
0x15: {  	[smem:$0x3FAC] =	sst s0;
	s0 =	simm.s32 @!p2 $0x0  }
0x16: {  	s3 =	sld [smem:$0x3FDB];
	s0 =	simm.s32 @p2 $0x1  }
0x17: {  	s4 =	simm.s32 $0x1BF5;
	[smem:$0x3FAE] =	sst s0  }
0x18: {  	s0 =	sld [smem:$0x3F91];
	_ =	swait.ge [sflag:s4], $0x0  }
0x19: {  	s7 =	sld [smem:$0x3F92]  }
0x1a: {  	s8 =	sadd.s32 $0xFFFFE003, lr  }
0x1b: {  	s9 =	sadd.s32 $0xFFFFFEF7, lr;
	s5 =	simm.s32 $0xFFFFFFFF;
	p2 =	slt.u32 s8, $0xFFFFF086  }
0x1c: {  	p1 =	slt.u32 s9, $0xF7A;
	s5 =	simm.s32 @!p2 $0x0  }
0x1d: {  	s5 =	simm.s32 @p1 $0x1;
	p0 =	seq.s32 s7, s2  }
0x1e: {  	s7 =	smul.u32 @!p0 $0xF7A, s2;
	p2 =	seq.s32 @!p0 s5, $0x0  }
0x1f: {  	s9 =	smul.u32 $0xF7A, s1;
	s8 =	simm.s32 @!p0 $0x1BF5;
	p2 =	por !p2, p0  }
0x20: {  	[sflag:s8] =	ssyncset.s32 @!p0 $0xFFFFF086;
	s6 =	sadd.s32 @!p0 s3, s7;
	s7 =	simm.s32 @!p0 $0x108  }
0x21: {  	s3 =	sadd.s32 s3, s9;
	s6 =	sadd.s32 @!p0 $0x88, s6;
	s7 =	simm.s32 @p2 $0x1082  }
0x22: {  	[simem:s7], [sflag:s8] =	dma.local @!p0 [hbm:s6], $0xF7A  }
0x23: {  	s9 =	sor.u32 $0xD0000000, s2;
	s6 =	simm.s32 $0x108;
	_ =	swait.ge @!p0 [sflag:s8], $0x0  }
0x24: {  	s3 =	sadd.s32 $0x88, s3;
	s6 =	simm.s32 @!p1 $0x1082;
	[sflag:s4] =	ssyncset.s32 $0xFFFFF086  }
0x25: {  	[simem:s6], [sflag:s4] =	dma.local [hbm:s3], $0xF7A  }
0x26: {  	[smem:$0x3F92] =	sst s1;
	(tag) =	ssettag s2;
	_ =	strace s9  }
0x27: {  	s1 =	sld [smem:$0x3FA2]  }
0x28: {  	s2 =	sld [smem:$0x3FA3]  }
0x29: {  	s4 =	sld [smem:$0x3FA5]  }
0x2a: {  	p0 =	seq.s32 s5, $0x0;
	s5 =	sld [smem:$0x3FA6]  }
0x2b: {  	s6 =	sld [smem:$0x3FA7]  }
0x2c: {  	s7 =	sld [smem:$0x3FA8]  }
0x2d: {  	s3 =	simm.s32 $0x108;
	s8 =	sld [smem:$0x3FA9]  }
0x2e: {  	s3 =	simm.s32 @!p0 $0x1082;
	s9 =	sld [smem:$0x3FAA]  }
0x2f: {  	lr =	sadd.s32 s0, s3;
	s0 =	sld [smem:$0x3FA1]  }
0x30: {  	s3 =	sld [smem:$0x3FA4]  }
0x31: {  	[smem:$0x3FAD] =	sst s10  }
0x32: {  	s10 =	sld [smem:$0x3FAB];
	_ =	sdelay $0x3  }
0x33: {  	p0 =	seq.s32 s10, $0x1;
	s10 =	sld [smem:$0x3FAD];
	_ =	sdelay $0x3  }
0x34: {  	[smem:$0x3FAD] =	sst s10  }
0x35: {  	s10 =	sld [smem:$0x3FAC];
	_ =	sdelay $0x3  }
0x36: {  	p1 =	seq.s32 s10, $0x1;
	s10 =	sld [smem:$0x3FAD];
	_ =	sdelay $0x3  }
0x37: {  	[smem:$0x3FAD] =	sst s10  }
0x38: {  	s10 =	sld [smem:$0x3FAE]  }
0x39: {  	_ = 	snop;
	(pc) =	sbr.ind lr, $3  }
0x3a: {  	_ = 	snop  }
0x3b: {  	_ = 	snop  }
0x3c: {  	p2 =	seq.s32 s10, $0x1;
	s10 =	sld [smem:$0x3FAD]  }
0x3d: {  	_ =	shalt  }
0x3e: {  	_ =	shalt  }
0x3f: {  	_ =	shalt  }
0x40: {  	_ =	shalt  }
0x41: {  	_ =	shalt  }
0x42: {  	_ =	shalt  }
0x43: {  	_ =	shalt  }
0x44: {  	_ =	shalt  }
0x45: {  	_ =	shalt  }
0x46: {  	_ =	shalt  }
0x47: {  	_ =	shalt  }
0x48: {  	_ =	shalt  }
0x49: {  	_ =	shalt  }
0x4a: {  	_ =	shalt  }
0x4b: {  	_ =	shalt  }
0x4c: {  	_ =	shalt  }
0x4d: {  	_ =	shalt  }
0x4e: {  	_ =	shalt  }
0x4f: {  	_ =	shalt  }
0x50: {  	_ =	shalt  }
0x51: {  	_ =	shalt  }
0x52: {  	_ =	shalt  }
0x53: {  	_ =	shalt  }
0x54: {  	_ =	shalt  }
0x55: {  	_ =	shalt  }
0x56: {  	_ =	shalt  }
0x57: {  	_ =	shalt  }
0x58: {  	_ =	shalt  }
0x59: {  	_ =	shalt  }
0x5a: {  	_ =	shalt  }
0x5b: {  	_ =	shalt  }
0x5c: {  	_ =	shalt  }
0x5d: {  	_ =	shalt  }
0x5e: {  	_ =	shalt  }
0x5f: {  	_ =	shalt  }
0x60: {  	_ =	shalt  }
0x61: {  	_ =	shalt  }
0x62: {  	_ =	shalt  }
0x63: {  	_ =	shalt  }
0x64: {  	_ =	shalt  }
0x65: {  	_ =	shalt  }
0x66: {  	_ =	shalt  }
0x67: {  	_ =	shalt  }
0x68: {  	_ =	shalt  }
0x69: {  	_ =	shalt  }
0x6a: {  	_ =	shalt  }
0x6b: {  	_ =	shalt  }
0x6c: {  	_ =	shalt  }
0x6d: {  	_ =	shalt  }
0x6e: {  	_ =	shalt  }
0x6f: {  	_ =	shalt  }
0x70: {  	_ =	shalt  }
0x71: {  	_ =	shalt  }
0x72: {  	_ =	shalt  }
0x73: {  	_ =	shalt  }
0x74: {  	_ =	shalt  }
0x75: {  	_ =	shalt  }
0x76: {  	_ =	shalt  }
0x77: {  	_ =	shalt  }
0x78: {  	_ =	shalt  }
0x79: {  	_ =	shalt  }
0x7a: {  	_ =	shalt  }
0x7b: {  	_ =	shalt  }
0x7c: {  	_ =	shalt  }
0x7d: {  	_ =	shalt  }
0x7e: {  	_ =	shalt  }
0x7f: {  	_ =	shalt  }
0x80: {  	_ =	shalt  }
0x81: {  	_ =	shalt  }
0x82: {  	_ =	shalt  }
0x83: {  	_ =	shalt  }
0x84: {  	_ =	shalt  }
0x85: {  	_ =	shalt  }
0x86: {  	_ =	shalt  }
0x87: {  	_ =	shalt  }
.Lfunc_end0:
.L_simem_size_0:
called_computation_lowered:
.L_overlay_start_0:
0x88: {  	s2 =	sld [smem:$0x3FD9]  }
0x89: {  	s3 =	sld [smem:$0x3FFE];
	_ =	sdelay $0x1  }
0x8a: {  	s1 =	srdreg.scid  }
0x8b: {  	s0 =	sand.u32 $0x1, s1  }
0x8c: {  	s14 =	sshll.u32 s0, $0xA;
	s2 =	sadd.s32 s3, s2  }
0x8d: {  	s2 =	sadd.s32 s2, s14  }
0x8e: {  	[smem:$0x3FB9] =	sst s2  }
0x8f: {  	_ = 	snop  }
0x90: {  	s2 =	sld [smem:$0x3FD0];
	_ =	sdelay $0x2  }
0x91: {  	s15 =	simm.s32 $0xA;
	s4 =	simm.s32 $0x10  }
0x92: {  	[smem:s4], [sflag:s15] =	dma.local [hbm:s2], $0x1  }
0x93: {  	_ =	swait.eq [sflag:s15], $0x1  }
0x94: {  	[sflag:s15] =	ssyncset.done $0x0  }
0x95: {  	s16 =	sld [smem:$0x10];
	[sflag:s15] =	ssyncadd.s32 $0xFFFFFFFF  }
0x96: {  	s17 =	sld [smem:$0x11];
	(tm) =	ssettm $0x1  }
0x97: {  	s18 =	sld [smem:$0x3FFB];
	_ =	sdelay $0x3  }
0x98: {  	_ =	strace s18  }
0x99: {  	s4 =	sld [smem:$0x3FFC];
	_ =	sdelay $0x3  }
0x9a: {  	_ =	strace s4  }
0x9b: {  	s4 =	sld [smem:$0x3FFD];
	_ =	sdelay $0x3  }
0x9c: {  	_ =	strace s4  }
0x9d: {  	_ =	strace $0x8FFFFFFF  }
0x9e: {  	s19 =	sld [smem:$0x3FDB];
	_ =	sdelay $0x1  }
0x9f: {  	s5 =	simm.s32 $_scs_section_size  }
0xa0: {  	s6 =	simm.s32 $_size__tile_overlayer_lowered;
	s7 =	simm.s32 $_tile_overlayer_lowered  }
0xa1: {  	s22 =	simm.s32 $0x1BFF;
	s21 =	sshll.u32 s7, $0x1;
	s4 =	sadd.s32 s5, s19  }
0xa2: {  	s8 =	simm.s32 $0x0;
	s20 =	sshll.u32 s6, $0x1;
	s6 =	sadd.s32 s21, s4  }
0xa3: {  	[timem:s8], [sflag:s22] =	dma.local [hbm:s6], s20  }
0xa4: {  	_ =	swait.ge [sflag:s22], s20  }
0xa5: {  	s5 =	ssub.s32 $0x0, s20;
	[sflag:s22] =	ssyncset.done $0x0  }
0xa6: {  	[sflag:s22] =	ssyncadd.s32 s5;
	_ =	sdelay $0x1  }
0xa7: {  	s23 =	simm.s32 $0x1B8B  }
0xa8: {  	_ =	swait.ge [sflag:s23], $0x1  }
0xa9: {  	[sflag:s23] =	ssyncset.done $0x0  }
0xaa: {  	s25 =	simm.s32 $0x1B8E;
	s24 =	sld [smem:$0x3FFE];
	[sflag:s23] =	ssyncadd.s32 $0xFFFFFFFF  }
0xab: {  	s26 =	simm.s32 $execute0_lowered;
	[smem:$0x3FD2] =	sst s25  }
0xac: {  	s6 =	sshll.u32 s26, $0x1;
	_ =	strace $0x80000046;
	[dreg:$0x1] =	wrdreg $0xFFFFFFFF  }
0xad: {  	s28 =	simm.s32 $_size_execute0_lowered;
	s4 =	sadd.s32 s4, s6;
	[dreg:$0x0] =	wrdreg $0x0  }
0xae: {  	s6 =	sshll.u32 s28, $0x1;
	[dreg:$0x2] =	wrdreg s4  }
0xaf: {  	[dreg:$0x3] =	wrdreg s6  }
0xb0: {  	[dreg:$0x4] =	wrdreg $0xC0  }
0xb1: {  	_ =	task [dreg:s8], $0x5FFFF  }
0xb2: {  	[dreg:$0x1] =	wrdreg $0xFFFFFFFF  }
0xb3: {  	[dreg:$0x0] =	wrdreg $0x60  }
0xb4: {  	[dreg:$0x2] =	wrdreg s24  }
0xb5: {  	[dreg:$0x3] =	wrdreg s17  }
0xb6: {  	[dreg:$0x4] =	wrdreg s16  }
0xb7: {  	[dreg:$0x5] =	wrdreg $0x9  }
0xb8: {  	_ =	task.clear_ibuf [dreg:s8], $0x6FFFF;
	_ =	strace $0x90000046  }
0xb9: {  	s29 =	simm.s32 $0x9;
	_ =	strace $0x80000048  }
0xba: {  	_ =	swait.ge [sflag:s29], $0x1  }
0xbb: {  	[sflag:s29] =	ssyncadd.s32 $0xFFFFFFFF  }
0xbc: {  	_ =	strace $0x90000048  }
0xbd: {  	_ =	sfence  }
0xbe: {  	s30 =	sld [smem:$0x0];
	_ =	sdelay $0x2  }
0xbf: {  	s31 =	sshll.u32 s1, $0xD;
	s1 =	sshrl.u32 s1, $0x2  }
0xc0: {  	s3 =	sand.u32 $0x4000, s31;
	s1 =	sadd.s32 s1, s30  }
0xc1: {  	s0 =	sor.u32 s3, s0;
	s1 =	sshll.u32 s1, $0x11  }
0xc2: {  	s0 =	sor.u32 s1, s0  }
0xc3: {  	s0 =	sadd.s32 $0x8F2B, s0  }
0xc4: {  	[sflag:s0] =	ssyncadd.remote.s32 $0x1  }
0xc5: {  	_ =	sfence.sel $0xFFFF  }
0xc6: {  	[dreg:$0x0] =	wrdreg $0xFFFFFFFF;
	(pc) =	sbr.abs _section_cstart, $3  }
0xc7: {  	[dreg:$0x1] =	wrdreg $0xFFFFFFFF  }
0xc8: {  	_ =	task.clear_ibuf [dreg:s8], $0x2FFFF;
	_ =	strace $0x9FFFFFFF  }
0xc9: {  	(tm) =	ssettm $0x7FFFFFFF  }
tec
execute0_lowered:
.L_overlay_start_1:
0x0: {  	(tag) =	ssettag $0x1  }
0x1: {  	s1 =	srdreg.scid  }
0x2: {  	s12 =	rddreg [dreg:$0x0];
	s0 =	stileid.u32;
	s14 =	sand.u32 $0x1, s1  }
0x3: {  	s3 =	rddreg [dreg:$0x1];
	s5 =	sshll.u32 s0, $0x9;
	s6 =	sshll.u32 s14, $0x8  }
0x4: {  	s4 =	rddreg [dreg:$0x2];
	s2 =	simm.s32 $0x0;
	s13 =	sor.u32 s6, s5  }
0x5: {  	[smem:$0x7FF] =	sst s2;
	s5 =	sshrl.u32 s13, $0x3  }
0x6: {  	s1 =	rddreg [dreg:$0x3];
	_ =	strace $0x80000047;
	s3 =	sadd.s32 s3, s5  }
0x7: {  	[tilespmem:s2], [sflag:$0x1] =	stream.linear.gather [hbm4b:s3+s2], $0x100, $0x38;
	[tilespmem:$0x10200] =	vst v63  }
0x8: {  	s6 =	simm.s32 $0x1;
	s4 =	sadd.s32 s4, s5;
	s5 =	simm.s32 $0x100  }
0x9: {  	[tilespmem:s5], [sflag:$0x2] =	stream.linear.gather [hbm4b:s4+s2], $0x100, $0x38;
	[tilespmem:$0x10200] =	vst v63  }
0xa: {  	_ =	swait.ge [sflag:s6], $0x100  }
0xb: {  	s8 =	simm.s32 $0x200;
	[sflag:s6] =	ssyncset.done $0x0  }
0xc: {  	s9 =	simm.s32 $0x2;
	s7 =	sadd.s32 $0x2A00, s12;
	[sflag:s6] =	ssyncadd.s32 $0xFFFFFF00  }
0xd: {  	[tilespmem:s8], [sflag:$0x3] =	stream.indirect.gather [hbm4b:s7+s5], $0x80, s2, s5, $0xb8;
	[tilespmem:$0x10200] =	vst v63  }
0xe: {  	_ =	swait.ge [sflag:s9], $0x100  }
0xf: {  	[sflag:s9] =	ssyncset.done $0x0  }
0x10: {  	s10 =	simm.s32 $0x8200;
	s11 =	simm.s32 $0x3;
	[sflag:s9] =	ssyncadd.s32 $0xFFFFFF00  }
0x11: {  	[tilespmem:s10], [sflag:$0x4] =	stream.indirect.gather [hbm4b:s7+s5], $0x80, s5, s5, $0xb8;
	[tilespmem:$0x10200] =	vst v63  }
0x12: {  	s16 =	ssub.s32 $0x2, s14;
	s13 =	sshll.u32 s13, $0x4;
	_ =	swait.ge [sflag:s11], $0x8000  }
0x13: {  	s17 =	sshrl.u32 s16, $0x1;
	s15 =	sadd.s32 s13, s12;
	[sflag:s11] =	ssyncset.done $0x0  }
0x14: {  	s13 =	simm.s32 $0x4;
	s12 =	sadd.s32 $0x22A00, s15;
	[sflag:s11] =	ssyncadd.s32 $0xFFFF8000  }
0x15: {  	[hbm4b:s12+s2] =	stream.linear.scatter [tilespmem:s8], [sflag:$0x5], $0x8000, $0x38;
	[tilespmem:$0x10200] =	vst v63  }
0x16: {  	s16 =	ssub.s32 s16, s17;
	_ =	swait.ge [sflag:s13], $0x8000  }
0x17: {  	s17 =	smax.u32 s16, $0x1;
	s14 =	sadd.s32 $0x42A00, s15;
	[sflag:s13] =	ssyncset.done $0x0  }
0x18: {  	s15 =	simm.s32 $0x5;
	p0 =	sne.s32 s17, $0x1;
	[sflag:s13] =	ssyncadd.s32 $0xFFFF8000  }
0x19: {  	[hbm4b:s14+s2] =	stream.linear.scatter [tilespmem:s10], [sflag:$0x6], $0x8000, $0x38;
	[tilespmem:$0x10200] =	vst v63  }
.Ltmp0:
0x1a: {  	_ =	swait.ge [sflag:s15], $0x8000;
	(pc) =	sbr.rel @!p0 .LBB2_2-.Ltmp0, $4  }
0x1b: {  	[sflag:s15] =	ssyncset.done $0x0  }
0x1c: {  	s16 =	simm.s32 $0x6;
	[sflag:s15] =	ssyncadd.s32 $0xFFFF8000  }
0x1d: {  	_ =	swait.ge [sflag:s16], $0x8000  }
0x1e: {  	s17 =	sadd.s32 $0xFFFFFFFF, s17;
	[sflag:s16] =	ssyncset.done $0x0  }
.LBB2_1:
0x1f: {  	p0 =	sne.s32 s17, $0x1;
	s17 =	sadd.s32 $0xFFFFFFFF, s17;
	[sflag:s16] =	ssyncadd.s32 $0xFFFF8000  }
0x20: {  	[tilespmem:s2], [sflag:$0x1] =	stream.linear.gather [hbm4b:s3+s2], $0x100, $0x38;
	[tilespmem:$0x10200] =	vst v63  }
0x21: {  	_ = 	snop  }
0x22: {  	[tilespmem:s5], [sflag:$0x2] =	stream.linear.gather [hbm4b:s4+s2], $0x100, $0x38;
	[tilespmem:$0x10200] =	vst v63  }
0x23: {  	_ =	swait.ge [sflag:s6], $0x100  }
0x24: {  	[sflag:s6] =	ssyncset.done $0x0  }
0x25: {  	[sflag:s6] =	ssyncadd.s32 $0xFFFFFF00  }
0x26: {  	[tilespmem:s8], [sflag:$0x3] =	stream.indirect.gather [hbm4b:s7+s5], $0x80, s2, s5, $0xb8;
	[tilespmem:$0x10200] =	vst v63  }
0x27: {  	_ =	swait.ge [sflag:s9], $0x100  }
0x28: {  	[sflag:s9] =	ssyncset.done $0x0  }
0x29: {  	[sflag:s9] =	ssyncadd.s32 $0xFFFFFF00  }
0x2a: {  	[tilespmem:s10], [sflag:$0x4] =	stream.indirect.gather [hbm4b:s7+s5], $0x80, s5, s5, $0xb8;
	[tilespmem:$0x10200] =	vst v63  }
0x2b: {  	_ =	swait.ge [sflag:s11], $0x8000  }
0x2c: {  	[sflag:s11] =	ssyncset.done $0x0  }
0x2d: {  	[sflag:s11] =	ssyncadd.s32 $0xFFFF8000  }
0x2e: {  	[hbm4b:s12+s2] =	stream.linear.scatter [tilespmem:s8], [sflag:$0x5], $0x8000, $0x38;
	[tilespmem:$0x10200] =	vst v63  }
0x2f: {  	_ =	swait.ge [sflag:s13], $0x8000  }
0x30: {  	[sflag:s13] =	ssyncset.done $0x0  }
0x31: {  	[sflag:s13] =	ssyncadd.s32 $0xFFFF8000  }
0x32: {  	[hbm4b:s14+s2] =	stream.linear.scatter [tilespmem:s10], [sflag:$0x6], $0x8000, $0x38;
	[tilespmem:$0x10200] =	vst v63  }
.Ltmp1:
0x33: {  	_ =	swait.ge [sflag:s15], $0x8000;
	(pc) =	sbr.rel @p0 .LBB2_1-.Ltmp1, $4  }
0x34: {  	[sflag:s15] =	ssyncset.done $0x0  }
0x35: {  	[sflag:s15] =	ssyncadd.s32 $0xFFFF8000  }
0x36: {  	_ =	swait.ge [sflag:s16], $0x8000  }
0x37: {  	[sflag:s16] =	ssyncset.done $0x0  }
.LBB2_2:
0x38: {  	[sflag:s16] =	ssyncadd.s32 $0xFFFF8000  }
0x39: {  	_ =	sfence.sel $0x180000  }
0x3a: {  	[bflag:$0x0] =	sbarrier.arrive $0xFFFF  }
0x3b: {  	p0 =	sne.s32 s0, $0x0;
	_ =	strace $0x90000047  }
0x3c: {  	s0 =	sadd.s32 @!p0 $0x100000, s1;
	[bflag:$0x2] =	sbarrier.arrive $0xFFFF  }
0x3d: {  	[sflag:s0] =	ssyncadd.tile.s32 @!p0 $0x1;
	_ =	shalt  }
.Lfunc_end2:
_tile_overlayer_lowered:
.L_overlay_start_2:
0x3e: {  	(tag) =	ssettag $0x2  }
0x3f: {  	s0 =	rddreg [dreg:$0x0];
	s2 =	stileid.u32  }
0x40: {  	s1 =	rddreg [dreg:$0x1];
	p0 =	sne.s32 s2, $0x0  }
0x41: {  	s3 =	rddreg [dreg:$0x2];
	[bflag:$0x3] =	sbarrier.arrive $0xFFFF;
	s2 =	simm.s32 @!p0 $0x1C07  }
0x42: {  	[timem:s3], [sflag:s2] =	dma.local @!p0 [hbm:s0], s1  }
0x43: {  	s0 =	simm.s32 @!p0 $0x7  }
0x44: {  	_ =	swait.ge @!p0 [sflag:s0], s1  }
0x45: {  	s1 =	ssub.s32 @!p0 $0x0, s1;
	[sflag:s0] =	ssyncset.done @!p0 $0x0  }
0x46: {  	[sflag:s0] =	ssyncadd.s32 @!p0 s1  }
0x47: {  	[bflag:$0x3] =	sbarrier.arrive $0xFFFF  }
0x48: {  	_ =	shalt  }

</sc_bundles>
